<compile_context>
chip_gen: v7x
topology: tpu7x:2x2x1
jax: 0.10.2.dev20260603
libtpu: 0.0.44.dev20260713+nightly
codegen_flags: <defaults>
</compile_context>

<pallas_src>
import functools

import jax
import jax.numpy as jnp
from jax import lax
from jax.experimental import pallas as pl
from jax.experimental.pallas import tpu as pltpu
from jax.experimental.pallas import tpu_sc as plsc

_C = 1000
_SMOOTH = 0.1
_ON = 1.0 - _SMOOTH
_OFF = _SMOOTH / (_C - 1)
_N = 16384

_NC, _NS = 2, 16
_NW = _NC * _NS
_SCS = 4096
_SCP = _SCS // _NW
_NG = _SCP // 16

_CB = 2048
_TCN = _N - _SCS
_TCB0 = _SCS // _CB



_DSPLIT = (128, 128, 128, 128, 128, 128, 128, 104)


def _sc_dense(xt_hbm, lbl_hbm, s_hbm, p_hbm, xb, lblv, sv, pv, sem):
    wid = lax.axis_index("s") * _NC + lax.axis_index("c")
    col0 = wid * _SCP
    copies = []
    r0 = 0
    for rr in _DSPLIT:
        copies.append(pltpu.async_copy(
            xt_hbm.at[pl.ds(r0, rr), pl.ds(col0, _SCP)],
            xb.at[pl.ds(r0, rr), :], sem))
        r0 += rr
    pltpu.sync_copy(lbl_hbm.at[pl.ds(col0, _SCP)], lblv)
    for cp in copies:
        cp.wait()

    iota = lax.iota(jnp.int32, 16)
    zeros = jnp.zeros((16,), jnp.float32)

    def col_body(r2, carry):
        es = list(carry[:_NG])
        acc_s = carry[_NG]
        for u in range(2):
            vs = [xb[2 * r2 + u, pl.ds(g * 16, 16)] for g in range(_NG)]
            for g in range(_NG):
                es[g] = es[g] + jnp.exp(vs[g])
            t0 = (vs[0] + vs[1]) + (vs[2] + vs[3])
            t1 = (vs[4] + vs[5]) + (vs[6] + vs[7])
            acc_s = acc_s + (t0 + t1)
        return tuple(es) + (acc_s,)

    carry = lax.fori_loop(0, _C // 2, col_body, (zeros,) * (_NG + 1))
    acc_sum = carry[_NG]
    acc_g = zeros
    for g in range(_NG):
        sv[g, :] = carry[g]
        lbl16 = lblv[pl.ds(g * 16, 16)]
        acc_g = acc_g + plsc.load_gather(xb, [lbl16, iota + g * 16])

    pltpu.sync_copy(sv, s_hbm.at[wid])
    pv[0, :] = acc_sum
    pv[1, :] = acc_g
    pltpu.sync_copy(pv, p_hbm.at[wid])


_sc_dense_call = functools.partial(
    pl.kernel,
    mesh=plsc.VectorSubcoreMesh(core_axis_name="c", subcore_axis_name="s"),
    out_type=[
        jax.ShapeDtypeStruct((_NW, _NG, 16), jnp.float32),
        jax.ShapeDtypeStruct((_NW, 2, 16), jnp.float32),
    ],
    scratch_types=[
        pltpu.VMEM((_C, _SCP), jnp.float32),
        pltpu.VMEM((_SCP,), jnp.int32),
        pltpu.VMEM((_NG, 16), jnp.float32),
        pltpu.VMEM((2, 16), jnp.float32),
        pltpu.SemaphoreType.DMA,
    ],
    compiler_params=pltpu.CompilerParams(needs_layout_passes=False),
)(_sc_dense)



def _tc_body(x_ref, lbl_ref, out_ref, acc_ref):
    i = pl.program_id(0)
    x = x_ref[...]
    lbl = lbl_ref[...].reshape(1, _CB)
    s = jnp.sum(jnp.exp(x), axis=0, keepdims=True)
    rows = lax.broadcasted_iota(jnp.int32, (_C, _CB), 0)
    g_sum = jnp.sum(jnp.where(rows == lbl, x, 0.0))
    c = jnp.sum(jnp.log(s)) - _OFF * jnp.sum(x) - (_ON - _OFF) * g_sum

    @pl.when(i == 0)
    def _init():
        acc_ref[0] = 0.0

    acc_ref[0] += c

    @pl.when(i == pl.num_programs(0) - 1)
    def _fin():
        out_ref[0] = acc_ref[0]


def _tc_dense(xt, lbl3):
    nb = _TCN // _CB
    return pl.pallas_call(
        _tc_body,
        grid=(nb,),
        in_specs=[
            pl.BlockSpec((_C, _CB), lambda i: (0, i + _TCB0)),
            pl.BlockSpec((1, 1, _CB), lambda i: (i + _TCB0, 0, 0)),
        ],
        out_specs=pl.BlockSpec(memory_space=pltpu.SMEM),
        out_shape=jax.ShapeDtypeStruct((1,), jnp.float32),
        scratch_shapes=[pltpu.SMEM((1,), jnp.float32)],
    )(xt, lbl3)



def _epi_body(tcp_ref, s_ref, p_ref, out_ref):
    lse_sum = jnp.sum(jnp.log(s_ref[...]))
    p = p_ref[...]
    sum_x = jnp.sum(p[:, 0, :])
    g_sum = jnp.sum(p[:, 1, :])
    c = tcp_ref[0] + lse_sum - _OFF * sum_x - (_ON - _OFF) * g_sum
    out_ref[0] = c * (1.0 / _N)


def _epilogue(tcp, s_sc, p_sc):
    return pl.pallas_call(
        _epi_body,
        in_specs=[
            pl.BlockSpec(memory_space=pltpu.SMEM),
            pl.BlockSpec((_NW, _NG, 16), lambda: (0, 0, 0)),
            pl.BlockSpec((_NW, 2, 16), lambda: (0, 0, 0)),
        ],
        out_specs=pl.BlockSpec(memory_space=pltpu.SMEM),
        out_shape=jax.ShapeDtypeStruct((1,), jnp.float32),
    )(tcp, s_sc, p_sc)


def kernel(logits, label):
    xt = logits.T
    lbl = label.astype(jnp.int32)
    s_sc, p_sc = _sc_dense_call(xt, lbl)
    tcp = _tc_dense(xt, lbl.reshape(_N // _CB, 1, _CB))
    out = _epilogue(tcp, s_sc, p_sc)
    return out[0]

# --- scband reference (transcript-rebuilt; emitter-appended) ---
"""Pipeline reference for scband-cross-entropy-smooth-82274393522963 (READ-ONLY COPY).

The authoritative reference and input builder live on the scoring server;
editing this copy changes nothing except your own understanding.
"""

import jax, jax.numpy as jnp
import numpy as np

NUM_CLASSES = 1000
SMOOTH_FACTOR = 0.1
ON_VALUE = 1.0 - SMOOTH_FACTOR
OFF_VALUE = SMOOTH_FACTOR / (NUM_CLASSES - 1)


def setup_inputs(seed: int = 0) -> dict:
    key = jax.random.key(seed)
    k1, k2 = jax.random.split(key)
    logits = jax.random.normal(k1, (16384, NUM_CLASSES), dtype=jnp.float32)
    label = jax.random.randint(k2, (16384,), 0, NUM_CLASSES, dtype=jnp.int64 if jax.config.read('jax_enable_x64') else jnp.int32)
    return {"logits": logits, "label": label}


def reference(logits, label):
    N = label.shape[0]
    # build smoothed one-hot labels: full off_value, scatter on_value at label positions
    smoothed = jnp.full((N, NUM_CLASSES), OFF_VALUE, dtype=jnp.float32)
    smoothed = smoothed.at[jnp.arange(N), label].set(ON_VALUE)
    log_prob = jax.nn.log_softmax(logits, axis=-1)
    loss = -jnp.sum(log_prob * smoothed) / N
    return loss

if __name__ == "__main__":
    import jax
    _d = setup_inputs()
    print(jax.jit(kernel)(*tuple(_d.values())))

</pallas_src>

<mosaic_0001>
#map = affine_map<(d0, d1) -> (0, 0)>
#map1 = affine_map<(d0, d1) -> (0)>
#map2 = affine_map<(d0, d1) -> (0, 0, 0)>
module attributes {stable_mosaic.version = 14 : i64} {
  func.func @_sc_dense(%arg0: i32, %arg1: i32, %arg2: memref<1000x16384xf32, #tpu.memory_space<hbm>>, %arg3: memref<16384xi32, #tpu.memory_space<hbm>>, %arg4: memref<32x8x16xf32, #tpu.memory_space<hbm>>, %arg5: memref<32x2x16xf32, #tpu.memory_space<hbm>>, %arg6: memref<1000x128xf32, #tpu.memory_space<vmem>>, %arg7: memref<128xi32, #tpu.memory_space<vmem>>, %arg8: memref<8x16xf32, #tpu.memory_space<vmem>>, %arg9: memref<2x16xf32, #tpu.memory_space<vmem>>, %arg10: memref<!tpu.dma_semaphore, #tpu.memory_space<semaphore_mem>>) attributes {dimension_semantics = [#tpu.dimension_semantics<core_parallel>, #tpu.dimension_semantics<subcore_parallel>], iteration_bounds = array<i64: 2, 16>, scalar_prefetch = 0 : i64, scratch_operands = 5 : i64, tpu.core_type = #tpu.core_type<sc_vector_subcore>, window_params = [{transform_indices = #map}, {transform_indices = #map1}, {transform_indices = #map2}, {transform_indices = #map2}]} {
    %mul3A = arith.constant 2 : i32
    %mul3A_0 = arith.muli %arg1, %mul3A : i32
    %add3A = arith.addi %mul3A_0, %arg0 : i32
    %mul3A_1 = arith.constant 128 : i32
    %mul3A_2 = arith.muli %add3A, %mul3A_1 : i32
    %dma_start3A = arith.constant 0 : i32
    %dma_start3A_3 = arith.constant 0 : i32
    %dma_start3A_4 = tpu.memref_slice %arg6[%dma_start3A, %dma_start3A_3] : memref<1000x128xf32, #tpu.memory_space<vmem>> -> memref<128x128xf32, #tpu.memory_space<vmem>>
    %dma_start3A_5 = arith.constant 0 : i32
    %dma_start3A_6 = tpu.memref_slice %arg2[%dma_start3A_5, %mul3A_2] : memref<1000x16384xf32, #tpu.memory_space<hbm>> -> memref<128x128xf32, #tpu.memory_space<hbm>>
    %dma_start3A_7 = arith.constant 0 : i32
    %dma_start3A_8 = arith.constant 0 : i32
    %dma_start3A_9 = tpu.memref_slice %arg6[%dma_start3A_7, %dma_start3A_8] : memref<1000x128xf32, #tpu.memory_space<vmem>> -> memref<128x128xf32, #tpu.memory_space<vmem>>
    %dma_start3A_10 = arith.constant 0 : i32
    %dma_start3A_11 = tpu.memref_slice %arg2[%dma_start3A_10, %mul3A_2] : memref<1000x16384xf32, #tpu.memory_space<hbm>> -> memref<128x128xf32, #tpu.memory_space<hbm>>
    tpu.enqueue_dma source(%dma_start3A_11 : memref<128x128xf32, #tpu.memory_space<hbm>>) target(%dma_start3A_9 : memref<128x128xf32, #tpu.memory_space<vmem>>) target_semaphore(%arg10 : memref<!tpu.dma_semaphore, #tpu.memory_space<semaphore_mem>>)
    %dma_start3A_12 = arith.constant 128 : i32
    %dma_start3A_13 = arith.constant 0 : i32
    %dma_start3A_14 = tpu.memref_slice %arg6[%dma_start3A_12, %dma_start3A_13] : memref<1000x128xf32, #tpu.memory_space<vmem>> -> memref<128x128xf32, #tpu.memory_space<vmem>>
    %dma_start3A_15 = arith.constant 128 : i32
    %dma_start3A_16 = tpu.memref_slice %arg2[%dma_start3A_15, %mul3A_2] : memref<1000x16384xf32, #tpu.memory_space<hbm>> -> memref<128x128xf32, #tpu.memory_space<hbm>>
    %dma_start3A_17 = arith.constant 128 : i32
    %dma_start3A_18 = arith.constant 0 : i32
    %dma_start3A_19 = tpu.memref_slice %arg6[%dma_start3A_17, %dma_start3A_18] : memref<1000x128xf32, #tpu.memory_space<vmem>> -> memref<128x128xf32, #tpu.memory_space<vmem>>
    %dma_start3A_20 = arith.constant 128 : i32
    %dma_start3A_21 = tpu.memref_slice %arg2[%dma_start3A_20, %mul3A_2] : memref<1000x16384xf32, #tpu.memory_space<hbm>> -> memref<128x128xf32, #tpu.memory_space<hbm>>
    tpu.enqueue_dma source(%dma_start3A_21 : memref<128x128xf32, #tpu.memory_space<hbm>>) target(%dma_start3A_19 : memref<128x128xf32, #tpu.memory_space<vmem>>) target_semaphore(%arg10 : memref<!tpu.dma_semaphore, #tpu.memory_space<semaphore_mem>>)
    %dma_start3A_22 = arith.constant 256 : i32
    %dma_start3A_23 = arith.constant 0 : i32
    %dma_start3A_24 = tpu.memref_slice %arg6[%dma_start3A_22, %dma_start3A_23] : memref<1000x128xf32, #tpu.memory_space<vmem>> -> memref<128x128xf32, #tpu.memory_space<vmem>>
    %dma_start3A_25 = arith.constant 256 : i32
    %dma_start3A_26 = tpu.memref_slice %arg2[%dma_start3A_25, %mul3A_2] : memref<1000x16384xf32, #tpu.memory_space<hbm>> -> memref<128x128xf32, #tpu.memory_space<hbm>>
    %dma_start3A_27 = arith.constant 256 : i32
    %dma_start3A_28 = arith.constant 0 : i32
    %dma_start3A_29 = tpu.memref_slice %arg6[%dma_start3A_27, %dma_start3A_28] : memref<1000x128xf32, #tpu.memory_space<vmem>> -> memref<128x128xf32, #tpu.memory_space<vmem>>
    %dma_start3A_30 = arith.constant 256 : i32
    %dma_start3A_31 = tpu.memref_slice %arg2[%dma_start3A_30, %mul3A_2] : memref<1000x16384xf32, #tpu.memory_space<hbm>> -> memref<128x128xf32, #tpu.memory_space<hbm>>
    tpu.enqueue_dma source(%dma_start3A_31 : memref<128x128xf32, #tpu.memory_space<hbm>>) target(%dma_start3A_29 : memref<128x128xf32, #tpu.memory_space<vmem>>) target_semaphore(%arg10 : memref<!tpu.dma_semaphore, #tpu.memory_space<semaphore_mem>>)
    %dma_start3A_32 = arith.constant 384 : i32
    %dma_start3A_33 = arith.constant 0 : i32
    %dma_start3A_34 = tpu.memref_slice %arg6[%dma_start3A_32, %dma_start3A_33] : memref<1000x128xf32, #tpu.memory_space<vmem>> -> memref<128x128xf32, #tpu.memory_space<vmem>>
    %dma_start3A_35 = arith.constant 384 : i32
    %dma_start3A_36 = tpu.memref_slice %arg2[%dma_start3A_35, %mul3A_2] : memref<1000x16384xf32, #tpu.memory_space<hbm>> -> memref<128x128xf32, #tpu.memory_space<hbm>>
    %dma_start3A_37 = arith.constant 384 : i32
    %dma_start3A_38 = arith.constant 0 : i32
    %dma_start3A_39 = tpu.memref_slice %arg6[%dma_start3A_37, %dma_start3A_38] : memref<1000x128xf32, #tpu.memory_space<vmem>> -> memref<128x128xf32, #tpu.memory_space<vmem>>
    %dma_start3A_40 = arith.constant 384 : i32
    %dma_start3A_41 = tpu.memref_slice %arg2[%dma_start3A_40, %mul3A_2] : memref<1000x16384xf32, #tpu.memory_space<hbm>> -> memref<128x128xf32, #tpu.memory_space<hbm>>
    tpu.enqueue_dma source(%dma_start3A_41 : memref<128x128xf32, #tpu.memory_space<hbm>>) target(%dma_start3A_39 : memref<128x128xf32, #tpu.memory_space<vmem>>) target_semaphore(%arg10 : memref<!tpu.dma_semaphore, #tpu.memory_space<semaphore_mem>>)
    %dma_start3A_42 = arith.constant 512 : i32
    %dma_start3A_43 = arith.constant 0 : i32
    %dma_start3A_44 = tpu.memref_slice %arg6[%dma_start3A_42, %dma_start3A_43] : memref<1000x128xf32, #tpu.memory_space<vmem>> -> memref<128x128xf32, #tpu.memory_space<vmem>>
    %dma_start3A_45 = arith.constant 512 : i32
    %dma_start3A_46 = tpu.memref_slice %arg2[%dma_start3A_45, %mul3A_2] : memref<1000x16384xf32, #tpu.memory_space<hbm>> -> memref<128x128xf32, #tpu.memory_space<hbm>>
    %dma_start3A_47 = arith.constant 512 : i32
    %dma_start3A_48 = arith.constant 0 : i32
    %dma_start3A_49 = tpu.memref_slice %arg6[%dma_start3A_47, %dma_start3A_48] : memref<1000x128xf32, #tpu.memory_space<vmem>> -> memref<128x128xf32, #tpu.memory_space<vmem>>
    %dma_start3A_50 = arith.constant 512 : i32
    %dma_start3A_51 = tpu.memref_slice %arg2[%dma_start3A_50, %mul3A_2] : memref<1000x16384xf32, #tpu.memory_space<hbm>> -> memref<128x128xf32, #tpu.memory_space<hbm>>
    tpu.enqueue_dma source(%dma_start3A_51 : memref<128x128xf32, #tpu.memory_space<hbm>>) target(%dma_start3A_49 : memref<128x128xf32, #tpu.memory_space<vmem>>) target_semaphore(%arg10 : memref<!tpu.dma_semaphore, #tpu.memory_space<semaphore_mem>>)
    %dma_start3A_52 = arith.constant 640 : i32
    %dma_start3A_53 = arith.constant 0 : i32
    %dma_start3A_54 = tpu.memref_slice %arg6[%dma_start3A_52, %dma_start3A_53] : memref<1000x128xf32, #tpu.memory_space<vmem>> -> memref<128x128xf32, #tpu.memory_space<vmem>>
    %dma_start3A_55 = arith.constant 640 : i32
    %dma_start3A_56 = tpu.memref_slice %arg2[%dma_start3A_55, %mul3A_2] : memref<1000x16384xf32, #tpu.memory_space<hbm>> -> memref<128x128xf32, #tpu.memory_space<hbm>>
    %dma_start3A_57 = arith.constant 640 : i32
    %dma_start3A_58 = arith.constant 0 : i32
    %dma_start3A_59 = tpu.memref_slice %arg6[%dma_start3A_57, %dma_start3A_58] : memref<1000x128xf32, #tpu.memory_space<vmem>> -> memref<128x128xf32, #tpu.memory_space<vmem>>
    %dma_start3A_60 = arith.constant 640 : i32
    %dma_start3A_61 = tpu.memref_slice %arg2[%dma_start3A_60, %mul3A_2] : memref<1000x16384xf32, #tpu.memory_space<hbm>> -> memref<128x128xf32, #tpu.memory_space<hbm>>
    tpu.enqueue_dma source(%dma_start3A_61 : memref<128x128xf32, #tpu.memory_space<hbm>>) target(%dma_start3A_59 : memref<128x128xf32, #tpu.memory_space<vmem>>) target_semaphore(%arg10 : memref<!tpu.dma_semaphore, #tpu.memory_space<semaphore_mem>>)
    %dma_start3A_62 = arith.constant 768 : i32
    %dma_start3A_63 = arith.constant 0 : i32
    %dma_start3A_64 = tpu.memref_slice %arg6[%dma_start3A_62, %dma_start3A_63] : memref<1000x128xf32, #tpu.memory_space<vmem>> -> memref<128x128xf32, #tpu.memory_space<vmem>>
    %dma_start3A_65 = arith.constant 768 : i32
    %dma_start3A_66 = tpu.memref_slice %arg2[%dma_start3A_65, %mul3A_2] : memref<1000x16384xf32, #tpu.memory_space<hbm>> -> memref<128x128xf32, #tpu.memory_space<hbm>>
    %dma_start3A_67 = arith.constant 768 : i32
    %dma_start3A_68 = arith.constant 0 : i32
    %dma_start3A_69 = tpu.memref_slice %arg6[%dma_start3A_67, %dma_start3A_68] : memref<1000x128xf32, #tpu.memory_space<vmem>> -> memref<128x128xf32, #tpu.memory_space<vmem>>
    %dma_start3A_70 = arith.constant 768 : i32
    %dma_start3A_71 = tpu.memref_slice %arg2[%dma_start3A_70, %mul3A_2] : memref<1000x16384xf32, #tpu.memory_space<hbm>> -> memref<128x128xf32, #tpu.memory_space<hbm>>
    tpu.enqueue_dma source(%dma_start3A_71 : memref<128x128xf32, #tpu.memory_space<hbm>>) target(%dma_start3A_69 : memref<128x128xf32, #tpu.memory_space<vmem>>) target_semaphore(%arg10 : memref<!tpu.dma_semaphore, #tpu.memory_space<semaphore_mem>>)
    %dma_start3A_72 = arith.constant 896 : i32
    %dma_start3A_73 = arith.constant 0 : i32
    %dma_start3A_74 = tpu.memref_slice %arg6[%dma_start3A_72, %dma_start3A_73] : memref<1000x128xf32, #tpu.memory_space<vmem>> -> memref<104x128xf32, #tpu.memory_space<vmem>>
    %dma_start3A_75 = arith.constant 896 : i32
    %dma_start3A_76 = tpu.memref_slice %arg2[%dma_start3A_75, %mul3A_2] : memref<1000x16384xf32, #tpu.memory_space<hbm>> -> memref<104x128xf32, #tpu.memory_space<hbm>>
    %dma_start3A_77 = arith.constant 896 : i32
    %dma_start3A_78 = arith.constant 0 : i32
    %dma_start3A_79 = tpu.memref_slice %arg6[%dma_start3A_77, %dma_start3A_78] : memref<1000x128xf32, #tpu.memory_space<vmem>> -> memref<104x128xf32, #tpu.memory_space<vmem>>
    %dma_start3A_80 = arith.constant 896 : i32
    %dma_start3A_81 = tpu.memref_slice %arg2[%dma_start3A_80, %mul3A_2] : memref<1000x16384xf32, #tpu.memory_space<hbm>> -> memref<104x128xf32, #tpu.memory_space<hbm>>
    tpu.enqueue_dma source(%dma_start3A_81 : memref<104x128xf32, #tpu.memory_space<hbm>>) target(%dma_start3A_79 : memref<104x128xf32, #tpu.memory_space<vmem>>) target_semaphore(%arg10 : memref<!tpu.dma_semaphore, #tpu.memory_space<semaphore_mem>>)
    "tpu.region"() ({
      %run_scoped3A = tpu.sem_alloc : memref<!tpu.dma_semaphore, #tpu.memory_space<semaphore_mem>>
      %dma_start3A_260 = tpu.memref_slice %arg3[%mul3A_2] : memref<16384xi32, #tpu.memory_space<hbm>> -> memref<128xi32, #tpu.memory_space<hbm>>
      %dma_start3A_261 = tpu.memref_slice %arg3[%mul3A_2] : memref<16384xi32, #tpu.memory_space<hbm>> -> memref<128xi32, #tpu.memory_space<hbm>>
      tpu.enqueue_dma source(%dma_start3A_261 : memref<128xi32, #tpu.memory_space<hbm>>) target(%arg7 : memref<128xi32, #tpu.memory_space<vmem>>) target_semaphore(%run_scoped3A : memref<!tpu.dma_semaphore, #tpu.memory_space<semaphore_mem>>)
      %dma_wait3A_262 = tpu.memref_slice %arg3[%mul3A_2] : memref<16384xi32, #tpu.memory_space<hbm>> -> memref<128xi32, #tpu.memory_space<hbm>>
      %dma_wait3A_263 = tpu.memref_slice %arg3[%mul3A_2] : memref<16384xi32, #tpu.memory_space<hbm>> -> memref<128xi32, #tpu.memory_space<hbm>>
      tpu.wait_dma2 semaphore(%run_scoped3A : memref<!tpu.dma_semaphore, #tpu.memory_space<semaphore_mem>>) src(%dma_wait3A_263 : memref<128xi32, #tpu.memory_space<hbm>>) dst(%arg7 : memref<128xi32, #tpu.memory_space<vmem>>)
      tpu.yield
    }) : () -> ()
    %dma_wait3A = arith.constant 0 : i32
    %dma_wait3A_82 = arith.constant 0 : i32
    %dma_wait3A_83 = tpu.memref_slice %arg6[%dma_wait3A, %dma_wait3A_82] : memref<1000x128xf32, #tpu.memory_space<vmem>> -> memref<128x128xf32, #tpu.memory_space<vmem>>
    %dma_wait3A_84 = arith.constant 0 : i32
    %dma_wait3A_85 = tpu.memref_slice %arg2[%dma_wait3A_84, %mul3A_2] : memref<1000x16384xf32, #tpu.memory_space<hbm>> -> memref<128x128xf32, #tpu.memory_space<hbm>>
    %dma_wait3A_86 = arith.constant 0 : i32
    %dma_wait3A_87 = arith.constant 0 : i32
    %dma_wait3A_88 = tpu.memref_slice %arg6[%dma_wait3A_86, %dma_wait3A_87] : memref<1000x128xf32, #tpu.memory_space<vmem>> -> memref<128x128xf32, #tpu.memory_space<vmem>>
    %dma_wait3A_89 = arith.constant 0 : i32
    %dma_wait3A_90 = tpu.memref_slice %arg2[%dma_wait3A_89, %mul3A_2] : memref<1000x16384xf32, #tpu.memory_space<hbm>> -> memref<128x128xf32, #tpu.memory_space<hbm>>
    tpu.wait_dma2 semaphore(%arg10 : memref<!tpu.dma_semaphore, #tpu.memory_space<semaphore_mem>>) src(%dma_wait3A_90 : memref<128x128xf32, #tpu.memory_space<hbm>>) dst(%dma_wait3A_88 : memref<128x128xf32, #tpu.memory_space<vmem>>)
    %dma_wait3A_91 = arith.constant 128 : i32
    %dma_wait3A_92 = arith.constant 0 : i32
    %dma_wait3A_93 = tpu.memref_slice %arg6[%dma_wait3A_91, %dma_wait3A_92] : memref<1000x128xf32, #tpu.memory_space<vmem>> -> memref<128x128xf32, #tpu.memory_space<vmem>>
    %dma_wait3A_94 = arith.constant 128 : i32
    %dma_wait3A_95 = tpu.memref_slice %arg2[%dma_wait3A_94, %mul3A_2] : memref<1000x16384xf32, #tpu.memory_space<hbm>> -> memref<128x128xf32, #tpu.memory_space<hbm>>
    %dma_wait3A_96 = arith.constant 128 : i32
    %dma_wait3A_97 = arith.constant 0 : i32
    %dma_wait3A_98 = tpu.memref_slice %arg6[%dma_wait3A_96, %dma_wait3A_97] : memref<1000x128xf32, #tpu.memory_space<vmem>> -> memref<128x128xf32, #tpu.memory_space<vmem>>
    %dma_wait3A_99 = arith.constant 128 : i32
    %dma_wait3A_100 = tpu.memref_slice %arg2[%dma_wait3A_99, %mul3A_2] : memref<1000x16384xf32, #tpu.memory_space<hbm>> -> memref<128x128xf32, #tpu.memory_space<hbm>>
    tpu.wait_dma2 semaphore(%arg10 : memref<!tpu.dma_semaphore, #tpu.memory_space<semaphore_mem>>) src(%dma_wait3A_100 : memref<128x128xf32, #tpu.memory_space<hbm>>) dst(%dma_wait3A_98 : memref<128x128xf32, #tpu.memory_space<vmem>>)
    %dma_wait3A_101 = arith.constant 256 : i32
    %dma_wait3A_102 = arith.constant 0 : i32
    %dma_wait3A_103 = tpu.memref_slice %arg6[%dma_wait3A_101, %dma_wait3A_102] : memref<1000x128xf32, #tpu.memory_space<vmem>> -> memref<128x128xf32, #tpu.memory_space<vmem>>
    %dma_wait3A_104 = arith.constant 256 : i32
    %dma_wait3A_105 = tpu.memref_slice %arg2[%dma_wait3A_104, %mul3A_2] : memref<1000x16384xf32, #tpu.memory_space<hbm>> -> memref<128x128xf32, #tpu.memory_space<hbm>>
    %dma_wait3A_106 = arith.constant 256 : i32
    %dma_wait3A_107 = arith.constant 0 : i32
    %dma_wait3A_108 = tpu.memref_slice %arg6[%dma_wait3A_106, %dma_wait3A_107] : memref<1000x128xf32, #tpu.memory_space<vmem>> -> memref<128x128xf32, #tpu.memory_space<vmem>>
    %dma_wait3A_109 = arith.constant 256 : i32
    %dma_wait3A_110 = tpu.memref_slice %arg2[%dma_wait3A_109, %mul3A_2] : memref<1000x16384xf32, #tpu.memory_space<hbm>> -> memref<128x128xf32, #tpu.memory_space<hbm>>
    tpu.wait_dma2 semaphore(%arg10 : memref<!tpu.dma_semaphore, #tpu.memory_space<semaphore_mem>>) src(%dma_wait3A_110 : memref<128x128xf32, #tpu.memory_space<hbm>>) dst(%dma_wait3A_108 : memref<128x128xf32, #tpu.memory_space<vmem>>)
    %dma_wait3A_111 = arith.constant 384 : i32
    %dma_wait3A_112 = arith.constant 0 : i32
    %dma_wait3A_113 = tpu.memref_slice %arg6[%dma_wait3A_111, %dma_wait3A_112] : memref<1000x128xf32, #tpu.memory_space<vmem>> -> memref<128x128xf32, #tpu.memory_space<vmem>>
    %dma_wait3A_114 = arith.constant 384 : i32
    %dma_wait3A_115 = tpu.memref_slice %arg2[%dma_wait3A_114, %mul3A_2] : memref<1000x16384xf32, #tpu.memory_space<hbm>> -> memref<128x128xf32, #tpu.memory_space<hbm>>
    %dma_wait3A_116 = arith.constant 384 : i32
    %dma_wait3A_117 = arith.constant 0 : i32
    %dma_wait3A_118 = tpu.memref_slice %arg6[%dma_wait3A_116, %dma_wait3A_117] : memref<1000x128xf32, #tpu.memory_space<vmem>> -> memref<128x128xf32, #tpu.memory_space<vmem>>
    %dma_wait3A_119 = arith.constant 384 : i32
    %dma_wait3A_120 = tpu.memref_slice %arg2[%dma_wait3A_119, %mul3A_2] : memref<1000x16384xf32, #tpu.memory_space<hbm>> -> memref<128x128xf32, #tpu.memory_space<hbm>>
    tpu.wait_dma2 semaphore(%arg10 : memref<!tpu.dma_semaphore, #tpu.memory_space<semaphore_mem>>) src(%dma_wait3A_120 : memref<128x128xf32, #tpu.memory_space<hbm>>) dst(%dma_wait3A_118 : memref<128x128xf32, #tpu.memory_space<vmem>>)
    %dma_wait3A_121 = arith.constant 512 : i32
    %dma_wait3A_122 = arith.constant 0 : i32
    %dma_wait3A_123 = tpu.memref_slice %arg6[%dma_wait3A_121, %dma_wait3A_122] : memref<1000x128xf32, #tpu.memory_space<vmem>> -> memref<128x128xf32, #tpu.memory_space<vmem>>
    %dma_wait3A_124 = arith.constant 512 : i32
    %dma_wait3A_125 = tpu.memref_slice %arg2[%dma_wait3A_124, %mul3A_2] : memref<1000x16384xf32, #tpu.memory_space<hbm>> -> memref<128x128xf32, #tpu.memory_space<hbm>>
    %dma_wait3A_126 = arith.constant 512 : i32
    %dma_wait3A_127 = arith.constant 0 : i32
    %dma_wait3A_128 = tpu.memref_slice %arg6[%dma_wait3A_126, %dma_wait3A_127] : memref<1000x128xf32, #tpu.memory_space<vmem>> -> memref<128x128xf32, #tpu.memory_space<vmem>>
    %dma_wait3A_129 = arith.constant 512 : i32
    %dma_wait3A_130 = tpu.memref_slice %arg2[%dma_wait3A_129, %mul3A_2] : memref<1000x16384xf32, #tpu.memory_space<hbm>> -> memref<128x128xf32, #tpu.memory_space<hbm>>
    tpu.wait_dma2 semaphore(%arg10 : memref<!tpu.dma_semaphore, #tpu.memory_space<semaphore_mem>>) src(%dma_wait3A_130 : memref<128x128xf32, #tpu.memory_space<hbm>>) dst(%dma_wait3A_128 : memref<128x128xf32, #tpu.memory_space<vmem>>)
    %dma_wait3A_131 = arith.constant 640 : i32
    %dma_wait3A_132 = arith.constant 0 : i32
    %dma_wait3A_133 = tpu.memref_slice %arg6[%dma_wait3A_131, %dma_wait3A_132] : memref<1000x128xf32, #tpu.memory_space<vmem>> -> memref<128x128xf32, #tpu.memory_space<vmem>>
    %dma_wait3A_134 = arith.constant 640 : i32
    %dma_wait3A_135 = tpu.memref_slice %arg2[%dma_wait3A_134, %mul3A_2] : memref<1000x16384xf32, #tpu.memory_space<hbm>> -> memref<128x128xf32, #tpu.memory_space<hbm>>
    %dma_wait3A_136 = arith.constant 640 : i32
    %dma_wait3A_137 = arith.constant 0 : i32
    %dma_wait3A_138 = tpu.memref_slice %arg6[%dma_wait3A_136, %dma_wait3A_137] : memref<1000x128xf32, #tpu.memory_space<vmem>> -> memref<128x128xf32, #tpu.memory_space<vmem>>
    %dma_wait3A_139 = arith.constant 640 : i32
    %dma_wait3A_140 = tpu.memref_slice %arg2[%dma_wait3A_139, %mul3A_2] : memref<1000x16384xf32, #tpu.memory_space<hbm>> -> memref<128x128xf32, #tpu.memory_space<hbm>>
    tpu.wait_dma2 semaphore(%arg10 : memref<!tpu.dma_semaphore, #tpu.memory_space<semaphore_mem>>) src(%dma_wait3A_140 : memref<128x128xf32, #tpu.memory_space<hbm>>) dst(%dma_wait3A_138 : memref<128x128xf32, #tpu.memory_space<vmem>>)
    %dma_wait3A_141 = arith.constant 768 : i32
    %dma_wait3A_142 = arith.constant 0 : i32
    %dma_wait3A_143 = tpu.memref_slice %arg6[%dma_wait3A_141, %dma_wait3A_142] : memref<1000x128xf32, #tpu.memory_space<vmem>> -> memref<128x128xf32, #tpu.memory_space<vmem>>
    %dma_wait3A_144 = arith.constant 768 : i32
    %dma_wait3A_145 = tpu.memref_slice %arg2[%dma_wait3A_144, %mul3A_2] : memref<1000x16384xf32, #tpu.memory_space<hbm>> -> memref<128x128xf32, #tpu.memory_space<hbm>>
    %dma_wait3A_146 = arith.constant 768 : i32
    %dma_wait3A_147 = arith.constant 0 : i32
    %dma_wait3A_148 = tpu.memref_slice %arg6[%dma_wait3A_146, %dma_wait3A_147] : memref<1000x128xf32, #tpu.memory_space<vmem>> -> memref<128x128xf32, #tpu.memory_space<vmem>>
    %dma_wait3A_149 = arith.constant 768 : i32
    %dma_wait3A_150 = tpu.memref_slice %arg2[%dma_wait3A_149, %mul3A_2] : memref<1000x16384xf32, #tpu.memory_space<hbm>> -> memref<128x128xf32, #tpu.memory_space<hbm>>
    tpu.wait_dma2 semaphore(%arg10 : memref<!tpu.dma_semaphore, #tpu.memory_space<semaphore_mem>>) src(%dma_wait3A_150 : memref<128x128xf32, #tpu.memory_space<hbm>>) dst(%dma_wait3A_148 : memref<128x128xf32, #tpu.memory_space<vmem>>)
    %dma_wait3A_151 = arith.constant 896 : i32
    %dma_wait3A_152 = arith.constant 0 : i32
    %dma_wait3A_153 = tpu.memref_slice %arg6[%dma_wait3A_151, %dma_wait3A_152] : memref<1000x128xf32, #tpu.memory_space<vmem>> -> memref<104x128xf32, #tpu.memory_space<vmem>>
    %dma_wait3A_154 = arith.constant 896 : i32
    %dma_wait3A_155 = tpu.memref_slice %arg2[%dma_wait3A_154, %mul3A_2] : memref<1000x16384xf32, #tpu.memory_space<hbm>> -> memref<104x128xf32, #tpu.memory_space<hbm>>
    %dma_wait3A_156 = arith.constant 896 : i32
    %dma_wait3A_157 = arith.constant 0 : i32
    %dma_wait3A_158 = tpu.memref_slice %arg6[%dma_wait3A_156, %dma_wait3A_157] : memref<1000x128xf32, #tpu.memory_space<vmem>> -> memref<104x128xf32, #tpu.memory_space<vmem>>
    %dma_wait3A_159 = arith.constant 896 : i32
    %dma_wait3A_160 = tpu.memref_slice %arg2[%dma_wait3A_159, %mul3A_2] : memref<1000x16384xf32, #tpu.memory_space<hbm>> -> memref<104x128xf32, #tpu.memory_space<hbm>>
    tpu.wait_dma2 semaphore(%arg10 : memref<!tpu.dma_semaphore, #tpu.memory_space<semaphore_mem>>) src(%dma_wait3A_160 : memref<104x128xf32, #tpu.memory_space<hbm>>) dst(%dma_wait3A_158 : memref<104x128xf32, #tpu.memory_space<vmem>>)
    %iota3A = tpu.iota {dimensions = array<i32: 0>} : vector<16xi32>
    %broadcast_in_dim3A = arith.constant 0.000000e+00 : f32
    %broadcast_in_dim3A_161 = vector.broadcast %broadcast_in_dim3A : f32 to vector<16xf32>
    %scan3A = arith.constant 0 : i32
    %scan3A_162 = arith.constant 500 : i32
    %scan3A_163 = arith.addi %scan3A, %scan3A_162 : i32
    %scan3A_164 = arith.constant 1 : i32
    %scan3A_165:9 = scf.for %scan3A_260 = %scan3A to %scan3A_163 step %scan3A_164 iter_args(%scan3A_261 = %broadcast_in_dim3A_161, %scan3A_262 = %broadcast_in_dim3A_161, %scan3A_263 = %broadcast_in_dim3A_161, %scan3A_264 = %broadcast_in_dim3A_161, %scan3A_265 = %broadcast_in_dim3A_161, %scan3A_266 = %broadcast_in_dim3A_161, %scan3A_267 = %broadcast_in_dim3A_161, %scan3A_268 = %broadcast_in_dim3A_161, %scan3A_269 = %broadcast_in_dim3A_161) -> (vector<16xf32>, vector<16xf32>, vector<16xf32>, vector<16xf32>, vector<16xf32>, vector<16xf32>, vector<16xf32>, vector<16xf32>, vector<16xf32>)  : i32 {
      %mul3A_270 = arith.constant 2 : i32
      %mul3A_271 = arith.muli %mul3A_270, %scan3A_260 : i32
      %add3A_272 = arith.constant 0 : i32
      %add3A_273 = arith.addi %mul3A_271, %add3A_272 : i32
      %get3A_274 = arith.index_cast %add3A_273 : i32 to index
      %get3A_275 = arith.constant 0 : index
      %get3A_276 = tpu.vector_load %arg6[%get3A_274, %get3A_275] {strides = array<i32>} : memref<1000x128xf32, #tpu.memory_space<vmem>>, vector<16xf32>,
      %mul3A_277 = arith.constant 2 : i32
      %mul3A_278 = arith.muli %mul3A_277, %scan3A_260 : i32
      %add3A_279 = arith.constant 0 : i32
      %add3A_280 = arith.addi %mul3A_278, %add3A_279 : i32
      %get3A_281 = arith.index_cast %add3A_280 : i32 to index
      %get3A_282 = arith.constant 16 : index
      %get3A_283 = tpu.vector_load %arg6[%get3A_281, %get3A_282] {strides = array<i32>} : memref<1000x128xf32, #tpu.memory_space<vmem>>, vector<16xf32>,
      %mul3A_284 = arith.constant 2 : i32
      %mul3A_285 = arith.muli %mul3A_284, %scan3A_260 : i32
      %add3A_286 = arith.constant 0 : i32
      %add3A_287 = arith.addi %mul3A_285, %add3A_286 : i32
      %get3A_288 = arith.index_cast %add3A_287 : i32 to index
      %get3A_289 = arith.constant 32 : index
      %get3A_290 = tpu.vector_load %arg6[%get3A_288, %get3A_289] {strides = array<i32>} : memref<1000x128xf32, #tpu.memory_space<vmem>>, vector<16xf32>,
      %mul3A_291 = arith.constant 2 : i32
      %mul3A_292 = arith.muli %mul3A_291, %scan3A_260 : i32
      %add3A_293 = arith.constant 0 : i32
      %add3A_294 = arith.addi %mul3A_292, %add3A_293 : i32
      %get3A_295 = arith.index_cast %add3A_294 : i32 to index
      %get3A_296 = arith.constant 48 : index
      %get3A_297 = tpu.vector_load %arg6[%get3A_295, %get3A_296] {strides = array<i32>} : memref<1000x128xf32, #tpu.memory_space<vmem>>, vector<16xf32>,
      %mul3A_298 = arith.constant 2 : i32
      %mul3A_299 = arith.muli %mul3A_298, %scan3A_260 : i32
      %add3A_300 = arith.constant 0 : i32
      %add3A_301 = arith.addi %mul3A_299, %add3A_300 : i32
      %get3A_302 = arith.index_cast %add3A_301 : i32 to index
      %get3A_303 = arith.constant 64 : index
      %get3A_304 = tpu.vector_load %arg6[%get3A_302, %get3A_303] {strides = array<i32>} : memref<1000x128xf32, #tpu.memory_space<vmem>>, vector<16xf32>,
      %mul3A_305 = arith.constant 2 : i32
      %mul3A_306 = arith.muli %mul3A_305, %scan3A_260 : i32
      %add3A_307 = arith.constant 0 : i32
      %add3A_308 = arith.addi %mul3A_306, %add3A_307 : i32
      %get3A_309 = arith.index_cast %add3A_308 : i32 to index
      %get3A_310 = arith.constant 80 : index
      %get3A_311 = tpu.vector_load %arg6[%get3A_309, %get3A_310] {strides = array<i32>} : memref<1000x128xf32, #tpu.memory_space<vmem>>, vector<16xf32>,
      %mul3A_312 = arith.constant 2 : i32
      %mul3A_313 = arith.muli %mul3A_312, %scan3A_260 : i32
      %add3A_314 = arith.constant 0 : i32
      %add3A_315 = arith.addi %mul3A_313, %add3A_314 : i32
      %get3A_316 = arith.index_cast %add3A_315 : i32 to index
      %get3A_317 = arith.constant 96 : index
      %get3A_318 = tpu.vector_load %arg6[%get3A_316, %get3A_317] {strides = array<i32>} : memref<1000x128xf32, #tpu.memory_space<vmem>>, vector<16xf32>,
      %mul3A_319 = arith.constant 2 : i32
      %mul3A_320 = arith.muli %mul3A_319, %scan3A_260 : i32
      %add3A_321 = arith.constant 0 : i32
      %add3A_322 = arith.addi %mul3A_320, %add3A_321 : i32
      %get3A_323 = arith.index_cast %add3A_322 : i32 to index
      %get3A_324 = arith.constant 112 : index
      %get3A_325 = tpu.vector_load %arg6[%get3A_323, %get3A_324] {strides = array<i32>} : memref<1000x128xf32, #tpu.memory_space<vmem>>, vector<16xf32>,
      %exp3A = math.exp %get3A_276 : vector<16xf32>
      %add3A_326 = arith.addf %scan3A_261, %exp3A : vector<16xf32>
      %exp3A_327 = math.exp %get3A_283 : vector<16xf32>
      %add3A_328 = arith.addf %scan3A_262, %exp3A_327 : vector<16xf32>
      %exp3A_329 = math.exp %get3A_290 : vector<16xf32>
      %add3A_330 = arith.addf %scan3A_263, %exp3A_329 : vector<16xf32>
      %exp3A_331 = math.exp %get3A_297 : vector<16xf32>
      %add3A_332 = arith.addf %scan3A_264, %exp3A_331 : vector<16xf32>
      %exp3A_333 = math.exp %get3A_304 : vector<16xf32>
      %add3A_334 = arith.addf %scan3A_265, %exp3A_333 : vector<16xf32>
      %exp3A_335 = math.exp %get3A_311 : vector<16xf32>
      %add3A_336 = arith.addf %scan3A_266, %exp3A_335 : vector<16xf32>
      %exp3A_337 = math.exp %get3A_318 : vector<16xf32>
      %add3A_338 = arith.addf %scan3A_267, %exp3A_337 : vector<16xf32>
      %exp3A_339 = math.exp %get3A_325 : vector<16xf32>
      %add3A_340 = arith.addf %scan3A_268, %exp3A_339 : vector<16xf32>
      %add3A_341 = arith.addf %get3A_276, %get3A_283 : vector<16xf32>
      %add3A_342 = arith.addf %get3A_290, %get3A_297 : vector<16xf32>
      %add3A_343 = arith.addf %add3A_341, %add3A_342 : vector<16xf32>
      %add3A_344 = arith.addf %get3A_304, %get3A_311 : vector<16xf32>
      %add3A_345 = arith.addf %get3A_318, %get3A_325 : vector<16xf32>
      %add3A_346 = arith.addf %add3A_344, %add3A_345 : vector<16xf32>
      %add3A_347 = arith.addf %add3A_343, %add3A_346 : vector<16xf32>
      %add3A_348 = arith.addf %scan3A_269, %add3A_347 : vector<16xf32>
      %mul3A_349 = arith.constant 2 : i32
      %mul3A_350 = arith.muli %mul3A_349, %scan3A_260 : i32
      %add3A_351 = arith.constant 1 : i32
      %add3A_352 = arith.addi %mul3A_350, %add3A_351 : i32
      %get3A_353 = arith.index_cast %add3A_352 : i32 to index
      %get3A_354 = arith.constant 0 : index
      %get3A_355 = tpu.vector_load %arg6[%get3A_353, %get3A_354] {strides = array<i32>} : memref<1000x128xf32, #tpu.memory_space<vmem>>, vector<16xf32>,
      %mul3A_356 = arith.constant 2 : i32
      %mul3A_357 = arith.muli %mul3A_356, %scan3A_260 : i32
      %add3A_358 = arith.constant 1 : i32
      %add3A_359 = arith.addi %mul3A_357, %add3A_358 : i32
      %get3A_360 = arith.index_cast %add3A_359 : i32 to index
      %get3A_361 = arith.constant 16 : index
      %get3A_362 = tpu.vector_load %arg6[%get3A_360, %get3A_361] {strides = array<i32>} : memref<1000x128xf32, #tpu.memory_space<vmem>>, vector<16xf32>,
      %mul3A_363 = arith.constant 2 : i32
      %mul3A_364 = arith.muli %mul3A_363, %scan3A_260 : i32
      %add3A_365 = arith.constant 1 : i32
      %add3A_366 = arith.addi %mul3A_364, %add3A_365 : i32
      %get3A_367 = arith.index_cast %add3A_366 : i32 to index
      %get3A_368 = arith.constant 32 : index
      %get3A_369 = tpu.vector_load %arg6[%get3A_367, %get3A_368] {strides = array<i32>} : memref<1000x128xf32, #tpu.memory_space<vmem>>, vector<16xf32>,
      %mul3A_370 = arith.constant 2 : i32
      %mul3A_371 = arith.muli %mul3A_370, %scan3A_260 : i32
      %add3A_372 = arith.constant 1 : i32
      %add3A_373 = arith.addi %mul3A_371, %add3A_372 : i32
      %get3A_374 = arith.index_cast %add3A_373 : i32 to index
      %get3A_375 = arith.constant 48 : index
      %get3A_376 = tpu.vector_load %arg6[%get3A_374, %get3A_375] {strides = array<i32>} : memref<1000x128xf32, #tpu.memory_space<vmem>>, vector<16xf32>,
      %mul3A_377 = arith.constant 2 : i32
      %mul3A_378 = arith.muli %mul3A_377, %scan3A_260 : i32
      %add3A_379 = arith.constant 1 : i32
      %add3A_380 = arith.addi %mul3A_378, %add3A_379 : i32
      %get3A_381 = arith.index_cast %add3A_380 : i32 to index
      %get3A_382 = arith.constant 64 : index
      %get3A_383 = tpu.vector_load %arg6[%get3A_381, %get3A_382] {strides = array<i32>} : memref<1000x128xf32, #tpu.memory_space<vmem>>, vector<16xf32>,
      %mul3A_384 = arith.constant 2 : i32
      %mul3A_385 = arith.muli %mul3A_384, %scan3A_260 : i32
      %add3A_386 = arith.constant 1 : i32
      %add3A_387 = arith.addi %mul3A_385, %add3A_386 : i32
      %get3A_388 = arith.index_cast %add3A_387 : i32 to index
      %get3A_389 = arith.constant 80 : index
      %get3A_390 = tpu.vector_load %arg6[%get3A_388, %get3A_389] {strides = array<i32>} : memref<1000x128xf32, #tpu.memory_space<vmem>>, vector<16xf32>,
      %mul3A_391 = arith.constant 2 : i32
      %mul3A_392 = arith.muli %mul3A_391, %scan3A_260 : i32
      %add3A_393 = arith.constant 1 : i32
      %add3A_394 = arith.addi %mul3A_392, %add3A_393 : i32
      %get3A_395 = arith.index_cast %add3A_394 : i32 to index
      %get3A_396 = arith.constant 96 : index
      %get3A_397 = tpu.vector_load %arg6[%get3A_395, %get3A_396] {strides = array<i32>} : memref<1000x128xf32, #tpu.memory_space<vmem>>, vector<16xf32>,
      %mul3A_398 = arith.constant 2 : i32
      %mul3A_399 = arith.muli %mul3A_398, %scan3A_260 : i32
      %add3A_400 = arith.constant 1 : i32
      %add3A_401 = arith.addi %mul3A_399, %add3A_400 : i32
      %get3A_402 = arith.index_cast %add3A_401 : i32 to index
      %get3A_403 = arith.constant 112 : index
      %get3A_404 = tpu.vector_load %arg6[%get3A_402, %get3A_403] {strides = array<i32>} : memref<1000x128xf32, #tpu.memory_space<vmem>>, vector<16xf32>,
      %exp3A_405 = math.exp %get3A_355 : vector<16xf32>
      %add3A_406 = arith.addf %add3A_326, %exp3A_405 : vector<16xf32>
      %exp3A_407 = math.exp %get3A_362 : vector<16xf32>
      %add3A_408 = arith.addf %add3A_328, %exp3A_407 : vector<16xf32>
      %exp3A_409 = math.exp %get3A_369 : vector<16xf32>
      %add3A_410 = arith.addf %add3A_330, %exp3A_409 : vector<16xf32>
      %exp3A_411 = math.exp %get3A_376 : vector<16xf32>
      %add3A_412 = arith.addf %add3A_332, %exp3A_411 : vector<16xf32>
      %exp3A_413 = math.exp %get3A_383 : vector<16xf32>
      %add3A_414 = arith.addf %add3A_334, %exp3A_413 : vector<16xf32>
      %exp3A_415 = math.exp %get3A_390 : vector<16xf32>
      %add3A_416 = arith.addf %add3A_336, %exp3A_415 : vector<16xf32>
      %exp3A_417 = math.exp %get3A_397 : vector<16xf32>
      %add3A_418 = arith.addf %add3A_338, %exp3A_417 : vector<16xf32>
      %exp3A_419 = math.exp %get3A_404 : vector<16xf32>
      %add3A_420 = arith.addf %add3A_340, %exp3A_419 : vector<16xf32>
      %add3A_421 = arith.addf %get3A_355, %get3A_362 : vector<16xf32>
      %add3A_422 = arith.addf %get3A_369, %get3A_376 : vector<16xf32>
      %add3A_423 = arith.addf %add3A_421, %add3A_422 : vector<16xf32>
      %add3A_424 = arith.addf %get3A_383, %get3A_390 : vector<16xf32>
      %add3A_425 = arith.addf %get3A_397, %get3A_404 : vector<16xf32>
      %add3A_426 = arith.addf %add3A_424, %add3A_425 : vector<16xf32>
      %add3A_427 = arith.addf %add3A_423, %add3A_426 : vector<16xf32>
      %add3A_428 = arith.addf %add3A_348, %add3A_427 : vector<16xf32>
      scf.yield %add3A_406, %add3A_408, %add3A_410, %add3A_412, %add3A_414, %add3A_416, %add3A_418, %add3A_420, %add3A_428 : vector<16xf32>, vector<16xf32>, vector<16xf32>, vector<16xf32>, vector<16xf32>, vector<16xf32>, vector<16xf32>, vector<16xf32>, vector<16xf32>
    }
    %scan3A_166 = arith.constant 500 : i32
    %swap3A = arith.constant 0 : i32
    %swap3A_167 = arith.index_cast %swap3A : i32 to index
    %swap3A_168 = arith.constant 0 : index
    %swap3A_169 = tpu.vector_load %arg8[%swap3A_167, %swap3A_168] {strides = array<i32>} : memref<8x16xf32, #tpu.memory_space<vmem>>, vector<16xf32>,
    tpu.vector_store %arg8[%swap3A_167, %swap3A_168], %scan3A_165#0 {strides = array<i32>} : memref<8x16xf32, #tpu.memory_space<vmem>>, vector<16xf32>,
    %get3A = arith.constant 0 : index
    %get3A_170 = tpu.vector_load %arg7[%get3A] {strides = array<i32>} : memref<128xi32, #tpu.memory_space<vmem>>, vector<16xi32>,
    %add3A_171 = arith.constant 0 : i32
    %add3A_172 = vector.broadcast %add3A_171 : i32 to vector<16xi32>
    %add3A_173 = arith.addi %iota3A, %add3A_172 : vector<16xi32>
    %gather3A = tpu.vector_load_idx %arg6[%get3A_170, %add3A_173] : memref<1000x128xf32, #tpu.memory_space<vmem>>[vector<16xi32>, vector<16xi32>], vector<16xf32>,
    %add3A_174 = arith.addf %broadcast_in_dim3A_161, %gather3A : vector<16xf32>
    %swap3A_175 = arith.constant 1 : i32
    %swap3A_176 = arith.index_cast %swap3A_175 : i32 to index
    %swap3A_177 = arith.constant 0 : index
    %swap3A_178 = tpu.vector_load %arg8[%swap3A_176, %swap3A_177] {strides = array<i32>} : memref<8x16xf32, #tpu.memory_space<vmem>>, vector<16xf32>,
    tpu.vector_store %arg8[%swap3A_176, %swap3A_177], %scan3A_165#1 {strides = array<i32>} : memref<8x16xf32, #tpu.memory_space<vmem>>, vector<16xf32>,
    %get3A_179 = arith.constant 16 : index
    %get3A_180 = tpu.vector_load %arg7[%get3A_179] {strides = array<i32>} : memref<128xi32, #tpu.memory_space<vmem>>, vector<16xi32>,
    %add3A_181 = arith.constant 16 : i32
    %add3A_182 = vector.broadcast %add3A_181 : i32 to vector<16xi32>
    %add3A_183 = arith.addi %iota3A, %add3A_182 : vector<16xi32>
    %gather3A_184 = tpu.vector_load_idx %arg6[%get3A_180, %add3A_183] : memref<1000x128xf32, #tpu.memory_space<vmem>>[vector<16xi32>, vector<16xi32>], vector<16xf32>,
    %add3A_185 = arith.addf %add3A_174, %gather3A_184 : vector<16xf32>
    %swap3A_186 = arith.constant 2 : i32
    %swap3A_187 = arith.index_cast %swap3A_186 : i32 to index
    %swap3A_188 = arith.constant 0 : index
    %swap3A_189 = tpu.vector_load %arg8[%swap3A_187, %swap3A_188] {strides = array<i32>} : memref<8x16xf32, #tpu.memory_space<vmem>>, vector<16xf32>,
    tpu.vector_store %arg8[%swap3A_187, %swap3A_188], %scan3A_165#2 {strides = array<i32>} : memref<8x16xf32, #tpu.memory_space<vmem>>, vector<16xf32>,
    %get3A_190 = arith.constant 32 : index
    %get3A_191 = tpu.vector_load %arg7[%get3A_190] {strides = array<i32>} : memref<128xi32, #tpu.memory_space<vmem>>, vector<16xi32>,
    %add3A_192 = arith.constant 32 : i32
    %add3A_193 = vector.broadcast %add3A_192 : i32 to vector<16xi32>
    %add3A_194 = arith.addi %iota3A, %add3A_193 : vector<16xi32>
    %gather3A_195 = tpu.vector_load_idx %arg6[%get3A_191, %add3A_194] : memref<1000x128xf32, #tpu.memory_space<vmem>>[vector<16xi32>, vector<16xi32>], vector<16xf32>,
    %add3A_196 = arith.addf %add3A_185, %gather3A_195 : vector<16xf32>
    %swap3A_197 = arith.constant 3 : i32
    %swap3A_198 = arith.index_cast %swap3A_197 : i32 to index
    %swap3A_199 = arith.constant 0 : index
    %swap3A_200 = tpu.vector_load %arg8[%swap3A_198, %swap3A_199] {strides = array<i32>} : memref<8x16xf32, #tpu.memory_space<vmem>>, vector<16xf32>,
    tpu.vector_store %arg8[%swap3A_198, %swap3A_199], %scan3A_165#3 {strides = array<i32>} : memref<8x16xf32, #tpu.memory_space<vmem>>, vector<16xf32>,
    %get3A_201 = arith.constant 48 : index
    %get3A_202 = tpu.vector_load %arg7[%get3A_201] {strides = array<i32>} : memref<128xi32, #tpu.memory_space<vmem>>, vector<16xi32>,
    %add3A_203 = arith.constant 48 : i32
    %add3A_204 = vector.broadcast %add3A_203 : i32 to vector<16xi32>
    %add3A_205 = arith.addi %iota3A, %add3A_204 : vector<16xi32>
    %gather3A_206 = tpu.vector_load_idx %arg6[%get3A_202, %add3A_205] : memref<1000x128xf32, #tpu.memory_space<vmem>>[vector<16xi32>, vector<16xi32>], vector<16xf32>,
    %add3A_207 = arith.addf %add3A_196, %gather3A_206 : vector<16xf32>
    %swap3A_208 = arith.constant 4 : i32
    %swap3A_209 = arith.index_cast %swap3A_208 : i32 to index
    %swap3A_210 = arith.constant 0 : index
    %swap3A_211 = tpu.vector_load %arg8[%swap3A_209, %swap3A_210] {strides = array<i32>} : memref<8x16xf32, #tpu.memory_space<vmem>>, vector<16xf32>,
    tpu.vector_store %arg8[%swap3A_209, %swap3A_210], %scan3A_165#4 {strides = array<i32>} : memref<8x16xf32, #tpu.memory_space<vmem>>, vector<16xf32>,
    %get3A_212 = arith.constant 64 : index
    %get3A_213 = tpu.vector_load %arg7[%get3A_212] {strides = array<i32>} : memref<128xi32, #tpu.memory_space<vmem>>, vector<16xi32>,
    %add3A_214 = arith.constant 64 : i32
    %add3A_215 = vector.broadcast %add3A_214 : i32 to vector<16xi32>
    %add3A_216 = arith.addi %iota3A, %add3A_215 : vector<16xi32>
    %gather3A_217 = tpu.vector_load_idx %arg6[%get3A_213, %add3A_216] : memref<1000x128xf32, #tpu.memory_space<vmem>>[vector<16xi32>, vector<16xi32>], vector<16xf32>,
    %add3A_218 = arith.addf %add3A_207, %gather3A_217 : vector<16xf32>
    %swap3A_219 = arith.constant 5 : i32
    %swap3A_220 = arith.index_cast %swap3A_219 : i32 to index
    %swap3A_221 = arith.constant 0 : index
    %swap3A_222 = tpu.vector_load %arg8[%swap3A_220, %swap3A_221] {strides = array<i32>} : memref<8x16xf32, #tpu.memory_space<vmem>>, vector<16xf32>,
    tpu.vector_store %arg8[%swap3A_220, %swap3A_221], %scan3A_165#5 {strides = array<i32>} : memref<8x16xf32, #tpu.memory_space<vmem>>, vector<16xf32>,
    %get3A_223 = arith.constant 80 : index
    %get3A_224 = tpu.vector_load %arg7[%get3A_223] {strides = array<i32>} : memref<128xi32, #tpu.memory_space<vmem>>, vector<16xi32>,
    %add3A_225 = arith.constant 80 : i32
    %add3A_226 = vector.broadcast %add3A_225 : i32 to vector<16xi32>
    %add3A_227 = arith.addi %iota3A, %add3A_226 : vector<16xi32>
    %gather3A_228 = tpu.vector_load_idx %arg6[%get3A_224, %add3A_227] : memref<1000x128xf32, #tpu.memory_space<vmem>>[vector<16xi32>, vector<16xi32>], vector<16xf32>,
    %add3A_229 = arith.addf %add3A_218, %gather3A_228 : vector<16xf32>
    %swap3A_230 = arith.constant 6 : i32
    %swap3A_231 = arith.index_cast %swap3A_230 : i32 to index
    %swap3A_232 = arith.constant 0 : index
    %swap3A_233 = tpu.vector_load %arg8[%swap3A_231, %swap3A_232] {strides = array<i32>} : memref<8x16xf32, #tpu.memory_space<vmem>>, vector<16xf32>,
    tpu.vector_store %arg8[%swap3A_231, %swap3A_232], %scan3A_165#6 {strides = array<i32>} : memref<8x16xf32, #tpu.memory_space<vmem>>, vector<16xf32>,
    %get3A_234 = arith.constant 96 : index
    %get3A_235 = tpu.vector_load %arg7[%get3A_234] {strides = array<i32>} : memref<128xi32, #tpu.memory_space<vmem>>, vector<16xi32>,
    %add3A_236 = arith.constant 96 : i32
    %add3A_237 = vector.broadcast %add3A_236 : i32 to vector<16xi32>
    %add3A_238 = arith.addi %iota3A, %add3A_237 : vector<16xi32>
    %gather3A_239 = tpu.vector_load_idx %arg6[%get3A_235, %add3A_238] : memref<1000x128xf32, #tpu.memory_space<vmem>>[vector<16xi32>, vector<16xi32>], vector<16xf32>,
    %add3A_240 = arith.addf %add3A_229, %gather3A_239 : vector<16xf32>
    %swap3A_241 = arith.constant 7 : i32
    %swap3A_242 = arith.index_cast %swap3A_241 : i32 to index
    %swap3A_243 = arith.constant 0 : index
    %swap3A_244 = tpu.vector_load %arg8[%swap3A_242, %swap3A_243] {strides = array<i32>} : memref<8x16xf32, #tpu.memory_space<vmem>>, vector<16xf32>,
    tpu.vector_store %arg8[%swap3A_242, %swap3A_243], %scan3A_165#7 {strides = array<i32>} : memref<8x16xf32, #tpu.memory_space<vmem>>, vector<16xf32>,
    %get3A_245 = arith.constant 112 : index
    %get3A_246 = tpu.vector_load %arg7[%get3A_245] {strides = array<i32>} : memref<128xi32, #tpu.memory_space<vmem>>, vector<16xi32>,
    %add3A_247 = arith.constant 112 : i32
    %add3A_248 = vector.broadcast %add3A_247 : i32 to vector<16xi32>
    %add3A_249 = arith.addi %iota3A, %add3A_248 : vector<16xi32>
    %gather3A_250 = tpu.vector_load_idx %arg6[%get3A_246, %add3A_249] : memref<1000x128xf32, #tpu.memory_space<vmem>>[vector<16xi32>, vector<16xi32>], vector<16xf32>,
    %add3A_251 = arith.addf %add3A_240, %gather3A_250 : vector<16xf32>
    "tpu.region"() ({
      %run_scoped3A = tpu.sem_alloc : memref<!tpu.dma_semaphore, #tpu.memory_space<semaphore_mem>>
      %dma_start3A_260 = arith.constant 0 : i32
      %dma_start3A_261 = arith.constant 0 : i32
      %dma_start3A_262 = tpu.memref_slice %arg4[%add3A, %dma_start3A_260, %dma_start3A_261] : memref<32x8x16xf32, #tpu.memory_space<hbm>> -> memref<1x8x16xf32, #tpu.memory_space<hbm>>
      %dma_start3A_263 = tpu.memref_squeeze %dma_start3A_262 : memref<1x8x16xf32, #tpu.memory_space<hbm>> -> memref<8x16xf32, #tpu.memory_space<hbm>>
      %dma_start3A_264 = arith.constant 0 : i32
      %dma_start3A_265 = arith.constant 0 : i32
      %dma_start3A_266 = tpu.memref_slice %arg4[%add3A, %dma_start3A_264, %dma_start3A_265] : memref<32x8x16xf32, #tpu.memory_space<hbm>> -> memref<1x8x16xf32, #tpu.memory_space<hbm>>
      %dma_start3A_267 = tpu.memref_squeeze %dma_start3A_266 : memref<1x8x16xf32, #tpu.memory_space<hbm>> -> memref<8x16xf32, #tpu.memory_space<hbm>>
      tpu.enqueue_dma source(%arg8 : memref<8x16xf32, #tpu.memory_space<vmem>>) target(%dma_start3A_267 : memref<8x16xf32, #tpu.memory_space<hbm>>) target_semaphore(%run_scoped3A : memref<!tpu.dma_semaphore, #tpu.memory_space<semaphore_mem>>)
      %dma_wait3A_268 = arith.constant 0 : i32
      %dma_wait3A_269 = arith.constant 0 : i32
      %dma_wait3A_270 = tpu.memref_slice %arg4[%add3A, %dma_wait3A_268, %dma_wait3A_269] : memref<32x8x16xf32, #tpu.memory_space<hbm>> -> memref<1x8x16xf32, #tpu.memory_space<hbm>>
      %dma_wait3A_271 = tpu.memref_squeeze %dma_wait3A_270 : memref<1x8x16xf32, #tpu.memory_space<hbm>> -> memref<8x16xf32, #tpu.memory_space<hbm>>
      %dma_wait3A_272 = arith.constant 0 : i32
      %dma_wait3A_273 = arith.constant 0 : i32
      %dma_wait3A_274 = tpu.memref_slice %arg4[%add3A, %dma_wait3A_272, %dma_wait3A_273] : memref<32x8x16xf32, #tpu.memory_space<hbm>> -> memref<1x8x16xf32, #tpu.memory_space<hbm>>
      %dma_wait3A_275 = tpu.memref_squeeze %dma_wait3A_274 : memref<1x8x16xf32, #tpu.memory_space<hbm>> -> memref<8x16xf32, #tpu.memory_space<hbm>>
      tpu.wait_dma2 semaphore(%run_scoped3A : memref<!tpu.dma_semaphore, #tpu.memory_space<semaphore_mem>>) src(%arg8 : memref<8x16xf32, #tpu.memory_space<vmem>>) dst(%dma_wait3A_275 : memref<8x16xf32, #tpu.memory_space<hbm>>)
      tpu.yield
    }) : () -> ()
    %swap3A_252 = arith.constant 0 : i32
    %swap3A_253 = arith.index_cast %swap3A_252 : i32 to index
    %swap3A_254 = arith.constant 0 : index
    %swap3A_255 = tpu.vector_load %arg9[%swap3A_253, %swap3A_254] {strides = array<i32>} : memref<2x16xf32, #tpu.memory_space<vmem>>, vector<16xf32>,
    tpu.vector_store %arg9[%swap3A_253, %swap3A_254], %scan3A_165#8 {strides = array<i32>} : memref<2x16xf32, #tpu.memory_space<vmem>>, vector<16xf32>,
    %swap3A_256 = arith.constant 1 : i32
    %swap3A_257 = arith.index_cast %swap3A_256 : i32 to index
    %swap3A_258 = arith.constant 0 : index
    %swap3A_259 = tpu.vector_load %arg9[%swap3A_257, %swap3A_258] {strides = array<i32>} : memref<2x16xf32, #tpu.memory_space<vmem>>, vector<16xf32>,
    tpu.vector_store %arg9[%swap3A_257, %swap3A_258], %add3A_251 {strides = array<i32>} : memref<2x16xf32, #tpu.memory_space<vmem>>, vector<16xf32>,
    "tpu.region"() ({
      %run_scoped3A = tpu.sem_alloc : memref<!tpu.dma_semaphore, #tpu.memory_space<semaphore_mem>>
      %dma_start3A_260 = arith.constant 0 : i32
      %dma_start3A_261 = arith.constant 0 : i32
      %dma_start3A_262 = tpu.memref_slice %arg5[%add3A, %dma_start3A_260, %dma_start3A_261] : memref<32x2x16xf32, #tpu.memory_space<hbm>> -> memref<1x2x16xf32, #tpu.memory_space<hbm>>
      %dma_start3A_263 = tpu.memref_squeeze %dma_start3A_262 : memref<1x2x16xf32, #tpu.memory_space<hbm>> -> memref<2x16xf32, #tpu.memory_space<hbm>>
      %dma_start3A_264 = arith.constant 0 : i32
      %dma_start3A_265 = arith.constant 0 : i32
      %dma_start3A_266 = tpu.memref_slice %arg5[%add3A, %dma_start3A_264, %dma_start3A_265] : memref<32x2x16xf32, #tpu.memory_space<hbm>> -> memref<1x2x16xf32, #tpu.memory_space<hbm>>
      %dma_start3A_267 = tpu.memref_squeeze %dma_start3A_266 : memref<1x2x16xf32, #tpu.memory_space<hbm>> -> memref<2x16xf32, #tpu.memory_space<hbm>>
      tpu.enqueue_dma source(%arg9 : memref<2x16xf32, #tpu.memory_space<vmem>>) target(%dma_start3A_267 : memref<2x16xf32, #tpu.memory_space<hbm>>) target_semaphore(%run_scoped3A : memref<!tpu.dma_semaphore, #tpu.memory_space<semaphore_mem>>)
      %dma_wait3A_268 = arith.constant 0 : i32
      %dma_wait3A_269 = arith.constant 0 : i32
      %dma_wait3A_270 = tpu.memref_slice %arg5[%add3A, %dma_wait3A_268, %dma_wait3A_269] : memref<32x2x16xf32, #tpu.memory_space<hbm>> -> memref<1x2x16xf32, #tpu.memory_space<hbm>>
      %dma_wait3A_271 = tpu.memref_squeeze %dma_wait3A_270 : memref<1x2x16xf32, #tpu.memory_space<hbm>> -> memref<2x16xf32, #tpu.memory_space<hbm>>
      %dma_wait3A_272 = arith.constant 0 : i32
      %dma_wait3A_273 = arith.constant 0 : i32
      %dma_wait3A_274 = tpu.memref_slice %arg5[%add3A, %dma_wait3A_272, %dma_wait3A_273] : memref<32x2x16xf32, #tpu.memory_space<hbm>> -> memref<1x2x16xf32, #tpu.memory_space<hbm>>
      %dma_wait3A_275 = tpu.memref_squeeze %dma_wait3A_274 : memref<1x2x16xf32, #tpu.memory_space<hbm>> -> memref<2x16xf32, #tpu.memory_space<hbm>>
      tpu.wait_dma2 semaphore(%run_scoped3A : memref<!tpu.dma_semaphore, #tpu.memory_space<semaphore_mem>>) src(%arg9 : memref<2x16xf32, #tpu.memory_space<vmem>>) dst(%dma_wait3A_275 : memref<2x16xf32, #tpu.memory_space<hbm>>)
      tpu.yield
    }) : () -> ()
    return
  }
}

module attributes {stable_mosaic.version = 14 : i64} {
  func.func @_tc_body(%arg0: i32, %arg1: memref<1000x2048xf32, #tpu.memory_space<vmem>>, %arg2: memref<1x1x2048xi32, #tpu.memory_space<vmem>>, %arg3: memref<1xf32, #tpu.memory_space<smem>>, %arg4: memref<1xf32, #tpu.memory_space<smem>>) attributes {dimension_semantics = [#tpu.dimension_semantics<arbitrary>], iteration_bounds = array<i64: 6>, scalar_prefetch = 0 : i64, scratch_operands = 1 : i64, tpu.core_type = #tpu.core_type<tc>, window_params = [{transform_indices = @transform_0, window_bounds = array<i64: 1000, 2048>}, {transform_indices = @transform_1, window_bounds = array<i64: 1, 1, 2048>}, {transform_indices = @transform_2, window_bounds = array<i64: 1>}]} {
    %get3A = arith.constant 0 : index
    %get3A_0 = arith.constant 0 : index
    %get3A_1 = vector.load %arg1[%get3A, %get3A_0] : memref<1000x2048xf32, #tpu.memory_space<vmem>>, vector<1000x2048xf32>
    %get3A_2 = arith.constant 0 : index
    %get3A_3 = arith.constant 0 : index
    %get3A_4 = arith.constant 0 : index
    %get3A_5 = vector.load %arg2[%get3A_2, %get3A_3, %get3A_4] : memref<1x1x2048xi32, #tpu.memory_space<vmem>>, vector<1x1x2048xi32>
    %reshape3A = vector.shape_cast %get3A_5 : vector<1x1x2048xi32> to vector<1x2048xi32>
    %exp3A = math.exp %get3A_1 : vector<1000x2048xf32>
    %reduce_sum3A = arith.constant dense<0.000000e+00> : vector<2048xf32>
    %reduce_sum3A_6 = vector.multi_reduction <add>, %exp3A, %reduce_sum3A [0] : vector<1000x2048xf32> to vector<2048xf32>
    %broadcast_in_dim3A = vector.shape_cast %reduce_sum3A_6 : vector<2048xf32> to vector<1x2048xf32>
    %iota3A = tpu.iota {dimensions = array<i32: 0>} : vector<1000x2048xi32>
    %eq3A = vector.broadcast %reshape3A : vector<1x2048xi32> to vector<1000x2048xi32>
    %eq3A_7 = arith.cmpi eq, %iota3A, %eq3A : vector<1000x2048xi32>
    %jit3A = arith.constant 0.000000e+00 : f32
    %broadcast_in_dim3A_8 = vector.broadcast %jit3A : f32 to vector<1000x2048xf32>
    %select_n3A = arith.select %eq3A_7, %get3A_1, %broadcast_in_dim3A_8 : vector<1000x2048xi1>, vector<1000x2048xf32>
    %reduce_sum3A_9 = vector.shape_cast %select_n3A : vector<1000x2048xf32> to vector<1x1000x2048xf32>
    %reduce_sum3A_10 = arith.constant dense<0.000000e+00> : vector<1xf32>
    %reduce_sum3A_11 = vector.multi_reduction <add>, %reduce_sum3A_9, %reduce_sum3A_10 [1, 2] : vector<1x1000x2048xf32> to vector<1xf32>
    %reduce_sum3A_12 = vector.shape_cast %reduce_sum3A_11 : vector<1xf32> to vector<1x1x1xf32>
    %reduce_sum3A_13 = vector.extract %reduce_sum3A_12[0, 0, 0] : f32 from vector<1x1x1xf32>
    %log3A = math.log %broadcast_in_dim3A : vector<1x2048xf32>
    %reduce_sum3A_14 = vector.shape_cast %log3A : vector<1x2048xf32> to vector<1x1x2048xf32>
    %reduce_sum3A_15 = arith.constant dense<0.000000e+00> : vector<1xf32>
    %reduce_sum3A_16 = vector.multi_reduction <add>, %reduce_sum3A_14, %reduce_sum3A_15 [1, 2] : vector<1x1x2048xf32> to vector<1xf32>
    %reduce_sum3A_17 = vector.shape_cast %reduce_sum3A_16 : vector<1xf32> to vector<1x1x1xf32>
    %reduce_sum3A_18 = vector.extract %reduce_sum3A_17[0, 0, 0] : f32 from vector<1x1x1xf32>
    %reduce_sum3A_19 = vector.shape_cast %get3A_1 : vector<1000x2048xf32> to vector<1x1000x2048xf32>
    %reduce_sum3A_20 = arith.constant dense<0.000000e+00> : vector<1xf32>
    %reduce_sum3A_21 = vector.multi_reduction <add>, %reduce_sum3A_19, %reduce_sum3A_20 [1, 2] : vector<1x1000x2048xf32> to vector<1xf32>
    %reduce_sum3A_22 = vector.shape_cast %reduce_sum3A_21 : vector<1xf32> to vector<1x1x1xf32>
    %reduce_sum3A_23 = vector.extract %reduce_sum3A_22[0, 0, 0] : f32 from vector<1x1x1xf32>
    %mul3A = arith.constant 1.001001E-4 : f32
    %mul3A_24 = arith.mulf %mul3A, %reduce_sum3A_23 : f32
    %sub3A = arith.subf %reduce_sum3A_18, %mul3A_24 : f32
    %mul3A_25 = arith.constant 0.899899899 : f32
    %mul3A_26 = arith.mulf %mul3A_25, %reduce_sum3A_13 : f32
    %sub3A_27 = arith.subf %sub3A, %mul3A_26 : f32
    %eq3A_28 = arith.constant 0 : i32
    %eq3A_29 = arith.cmpi eq, %arg0, %eq3A_28 : i32
    %convert_element_type3A = arith.extui %eq3A_29 : i1 to i32
    %cond3A = arith.constant 0 : i32
    %cond3A_30 = arith.cmpi ne, %convert_element_type3A, %cond3A : i32
    scf.if %cond3A_30 {
      %swap3A_39 = arith.constant 0.000000e+00 : f32
      %swap3A_40 = arith.constant 0 : index
      %swap3A_41 = memref.load %arg4[%swap3A_40] : memref<1xf32, #tpu.memory_space<smem>>
      memref.store %swap3A_39, %arg4[%swap3A_40] : memref<1xf32, #tpu.memory_space<smem>>
    } else {
    }
    %get3A_31 = arith.constant 0 : index
    %get3A_32 = memref.load %arg4[%get3A_31] : memref<1xf32, #tpu.memory_space<smem>>
    %add3A = arith.addf %get3A_32, %sub3A_27 : f32
    %swap3A = arith.constant 0 : index
    %swap3A_33 = memref.load %arg4[%swap3A] : memref<1xf32, #tpu.memory_space<smem>>
    memref.store %add3A, %arg4[%swap3A] : memref<1xf32, #tpu.memory_space<smem>>
    %eq3A_34 = arith.constant 5 : i32
    %eq3A_35 = arith.cmpi eq, %arg0, %eq3A_34 : i32
    %convert_element_type3A_36 = arith.extui %eq3A_35 : i1 to i32
    %cond3A_37 = arith.constant 0 : i32
    %cond3A_38 = arith.cmpi ne, %convert_element_type3A_36, %cond3A_37 : i32
    scf.if %cond3A_38 {
      %get3A_39 = arith.constant 0 : index
      %get3A_40 = memref.load %arg4[%get3A_39] : memref<1xf32, #tpu.memory_space<smem>>
      %swap3A_41 = arith.constant 0 : index
      %swap3A_42 = memref.load %arg3[%swap3A_41] : memref<1xf32, #tpu.memory_space<smem>>
      memref.store %get3A_40, %arg3[%swap3A_41] : memref<1xf32, #tpu.memory_space<smem>>
    } else {
    }
    return
  }
  func.func @transform_0(%arg0: i32) -> (i32, i32) {
    %add3A = arith.constant 2 : i32
    %add3A_0 = arith.addi %arg0, %add3A : i32
    %c0_i32 = arith.constant 0 : i32
    %c0_i32_1 = arith.constant 0 : i32
    return %c0_i32, %add3A_0 : i32, i32
  }
  func.func @transform_1(%arg0: i32) -> (i32, i32, i32) {
    %add3A = arith.constant 2 : i32
    %add3A_0 = arith.addi %arg0, %add3A : i32
    %c0_i32 = arith.constant 0 : i32
    %c0_i32_1 = arith.constant 0 : i32
    %c0_i32_2 = arith.constant 0 : i32
    return %add3A_0, %c0_i32, %c0_i32_1 : i32, i32, i32
  }
  func.func @transform_2(%arg0: i32) -> i32 {
    %c0_i32 = arith.constant 0 : i32
    %c0_i32_0 = arith.constant 0 : i32
    return %c0_i32 : i32
  }
}

module attributes {stable_mosaic.version = 14 : i64} {
  func.func @_epi_body(%arg0: memref<1xf32, #tpu.memory_space<smem>>, %arg1: memref<32x8x16xf32, #tpu.memory_space<vmem>>, %arg2: memref<32x2x16xf32, #tpu.memory_space<vmem>>, %arg3: memref<1xf32, #tpu.memory_space<smem>>) attributes {dimension_semantics = [], scalar_prefetch = 0 : i64, scratch_operands = 0 : i64, tpu.core_type = #tpu.core_type<tc>} {
    %get3A = arith.constant 0 : index
    %get3A_0 = arith.constant 0 : index
    %get3A_1 = arith.constant 0 : index
    %get3A_2 = vector.load %arg1[%get3A, %get3A_0, %get3A_1] : memref<32x8x16xf32, #tpu.memory_space<vmem>>, vector<32x8x16xf32>
    %log3A = math.log %get3A_2 : vector<32x8x16xf32>
    %reduce_sum3A = vector.shape_cast %log3A : vector<32x8x16xf32> to vector<1x32x8x16xf32>
    %reduce_sum3A_3 = arith.constant dense<0.000000e+00> : vector<1xf32>
    %reduce_sum3A_4 = vector.multi_reduction <add>, %reduce_sum3A, %reduce_sum3A_3 [1, 2, 3] : vector<1x32x8x16xf32> to vector<1xf32>
    %reduce_sum3A_5 = vector.shape_cast %reduce_sum3A_4 : vector<1xf32> to vector<1x1x1x1xf32>
    %reduce_sum3A_6 = vector.extract %reduce_sum3A_5[0, 0, 0, 0] : f32 from vector<1x1x1x1xf32>
    %get3A_7 = arith.constant 0 : index
    %get3A_8 = arith.constant 0 : index
    %get3A_9 = arith.constant 0 : index
    %get3A_10 = vector.load %arg2[%get3A_7, %get3A_8, %get3A_9] : memref<32x2x16xf32, #tpu.memory_space<vmem>>, vector<32x2x16xf32>
    %slice3A = vector.extract_strided_slice %get3A_10 {offsets = [0, 0, 0], sizes = [32, 1, 16], strides = [1, 1, 1]} : vector<32x2x16xf32> to vector<32x1x16xf32>
    %squeeze3A = vector.shape_cast %slice3A : vector<32x1x16xf32> to vector<32x16xf32>
    %reduce_sum3A_11 = vector.shape_cast %squeeze3A : vector<32x16xf32> to vector<1x32x16xf32>
    %reduce_sum3A_12 = arith.constant dense<0.000000e+00> : vector<1xf32>
    %reduce_sum3A_13 = vector.multi_reduction <add>, %reduce_sum3A_11, %reduce_sum3A_12 [1, 2] : vector<1x32x16xf32> to vector<1xf32>
    %reduce_sum3A_14 = vector.shape_cast %reduce_sum3A_13 : vector<1xf32> to vector<1x1x1xf32>
    %reduce_sum3A_15 = vector.extract %reduce_sum3A_14[0, 0, 0] : f32 from vector<1x1x1xf32>
    %slice3A_16 = vector.extract_strided_slice %get3A_10 {offsets = [0, 1, 0], sizes = [32, 1, 16], strides = [1, 1, 1]} : vector<32x2x16xf32> to vector<32x1x16xf32>
    %squeeze3A_17 = vector.shape_cast %slice3A_16 : vector<32x1x16xf32> to vector<32x16xf32>
    %reduce_sum3A_18 = vector.shape_cast %squeeze3A_17 : vector<32x16xf32> to vector<1x32x16xf32>
    %reduce_sum3A_19 = arith.constant dense<0.000000e+00> : vector<1xf32>
    %reduce_sum3A_20 = vector.multi_reduction <add>, %reduce_sum3A_18, %reduce_sum3A_19 [1, 2] : vector<1x32x16xf32> to vector<1xf32>
    %reduce_sum3A_21 = vector.shape_cast %reduce_sum3A_20 : vector<1xf32> to vector<1x1x1xf32>
    %reduce_sum3A_22 = vector.extract %reduce_sum3A_21[0, 0, 0] : f32 from vector<1x1x1xf32>
    %get3A_23 = arith.constant 0 : index
    %get3A_24 = memref.load %arg0[%get3A_23] : memref<1xf32, #tpu.memory_space<smem>>
    %add3A = arith.addf %get3A_24, %reduce_sum3A_6 : f32
    %mul3A = arith.constant 1.001001E-4 : f32
    %mul3A_25 = arith.mulf %mul3A, %reduce_sum3A_15 : f32
    %sub3A = arith.subf %add3A, %mul3A_25 : f32
    %mul3A_26 = arith.constant 0.899899899 : f32
    %mul3A_27 = arith.mulf %mul3A_26, %reduce_sum3A_22 : f32
    %sub3A_28 = arith.subf %sub3A, %mul3A_27 : f32
    %mul3A_29 = arith.constant 6.10351563E-5 : f32
    %mul3A_30 = arith.mulf %sub3A_28, %mul3A_29 : f32
    %swap3A = arith.constant 0 : index
    %swap3A_31 = memref.load %arg3[%swap3A] : memref<1xf32, #tpu.memory_space<smem>>
    memref.store %mul3A_30, %arg3[%swap3A] : memref<1xf32, #tpu.memory_space<smem>>
    return
  }
}

</mosaic_0001>

<sc_bundles>
// kernel: kernel.5.cloned.1.call-start
scs
__scs_entry_jumppad:
0x0: {  	(pc) =	sbr.rel $0x88, $3  }
0x1: {  	(tag) =	ssettag $0x0;
	lr =	simm.s32 $0x1  }
0x2: {  	[smem:$0x3F9F] =	sst lr;
	_ =	strace $0xD0000000  }
0x3: {  	_ = 	snop  }
0x4: {  	_ = 	snop  }
0x5: {  	_ = 	snop  }
0x6: {  	_ = 	snop  }
0x7: {  	_ = 	snop  }
__scs_overlays_trampoline_lowered:
0x8: {  	[smem:$0x3FAE] =	sst s0  }
0x9: {  	[smem:$0x3FAF] =	sst s1  }
0xa: {  	[smem:$0x3FB0] =	sst s2  }
0xb: {  	[smem:$0x3FB1] =	sst s3  }
0xc: {  	[smem:$0x3FB2] =	sst s4  }
0xd: {  	[smem:$0x3FB3] =	sst s5  }
0xe: {  	[smem:$0x3FB4] =	sst s6  }
0xf: {  	[smem:$0x3FB5] =	sst s7  }
0x10: {  	[smem:$0x3FB6] =	sst s8  }
0x11: {  	[smem:$0x3FB7] =	sst s9;
	s0 =	simm.s32 @!p0 $0x0  }
0x12: {  	s1 =	sld [smem:$0x3F9D];
	s0 =	simm.s32 @p0 $0x1  }
0x13: {  	[smem:$0x3FB8] =	sst s0;
	s0 =	simm.s32 @!p1 $0x0  }
0x14: {  	s2 =	sld [smem:$0x3F9C];
	s0 =	simm.s32 @p1 $0x1  }
0x15: {  	[smem:$0x3FB9] =	sst s0;
	s0 =	simm.s32 @!p2 $0x0  }
0x16: {  	s3 =	sld [smem:$0x3FDB];
	s0 =	simm.s32 @p2 $0x1  }
0x17: {  	s4 =	simm.s32 $0x1BF5;
	[smem:$0x3FBB] =	sst s0  }
0x18: {  	s0 =	sld [smem:$0x3F9E];
	_ =	swait.ge [sflag:s4], $0x0  }
0x19: {  	s7 =	sld [smem:$0x3F9F]  }
0x1a: {  	s8 =	sadd.s32 $0xFFFFE003, lr  }
0x1b: {  	s9 =	sadd.s32 $0xFFFFFEF7, lr;
	s5 =	simm.s32 $0xFFFFFFFF;
	p2 =	slt.u32 s8, $0xFFFFF086  }
0x1c: {  	p1 =	slt.u32 s9, $0xF7A;
	s5 =	simm.s32 @!p2 $0x0  }
0x1d: {  	s5 =	simm.s32 @p1 $0x1;
	p0 =	seq.s32 s7, s2  }
0x1e: {  	s7 =	smul.u32 @!p0 $0xF7A, s2;
	p2 =	seq.s32 @!p0 s5, $0x0  }
0x1f: {  	s9 =	smul.u32 $0xF7A, s1;
	s8 =	simm.s32 @!p0 $0x1BF5;
	p2 =	por !p2, p0  }
0x20: {  	[sflag:s8] =	ssyncset.s32 @!p0 $0xFFFFF086;
	s6 =	sadd.s32 @!p0 s3, s7;
	s7 =	simm.s32 @!p0 $0x108  }
0x21: {  	s3 =	sadd.s32 s3, s9;
	s6 =	sadd.s32 @!p0 $0x88, s6;
	s7 =	simm.s32 @p2 $0x1082  }
0x22: {  	[simem:s7], [sflag:s8] =	dma.local @!p0 [hbm:s6], $0xF7A  }
0x23: {  	s9 =	sor.u32 $0xD0000000, s2;
	s6 =	simm.s32 $0x108;
	_ =	swait.ge @!p0 [sflag:s8], $0x0  }
0x24: {  	s3 =	sadd.s32 $0x88, s3;
	s6 =	simm.s32 @!p1 $0x1082;
	[sflag:s4] =	ssyncset.s32 $0xFFFFF086  }
0x25: {  	[simem:s6], [sflag:s4] =	dma.local [hbm:s3], $0xF7A  }
0x26: {  	[smem:$0x3F9F] =	sst s1;
	(tag) =	ssettag s2;
	_ =	strace s9  }
0x27: {  	s1 =	sld [smem:$0x3FAF]  }
0x28: {  	s2 =	sld [smem:$0x3FB0]  }
0x29: {  	s4 =	sld [smem:$0x3FB2]  }
0x2a: {  	p0 =	seq.s32 s5, $0x0;
	s5 =	sld [smem:$0x3FB3]  }
0x2b: {  	s6 =	sld [smem:$0x3FB4]  }
0x2c: {  	s7 =	sld [smem:$0x3FB5]  }
0x2d: {  	s3 =	simm.s32 $0x108;
	s8 =	sld [smem:$0x3FB6]  }
0x2e: {  	s3 =	simm.s32 @!p0 $0x1082;
	s9 =	sld [smem:$0x3FB7]  }
0x2f: {  	lr =	sadd.s32 s0, s3;
	s0 =	sld [smem:$0x3FAE]  }
0x30: {  	s3 =	sld [smem:$0x3FB1]  }
0x31: {  	[smem:$0x3FBA] =	sst s10  }
0x32: {  	s10 =	sld [smem:$0x3FB8];
	_ =	sdelay $0x3  }
0x33: {  	p0 =	seq.s32 s10, $0x1;
	s10 =	sld [smem:$0x3FBA];
	_ =	sdelay $0x3  }
0x34: {  	[smem:$0x3FBA] =	sst s10  }
0x35: {  	s10 =	sld [smem:$0x3FB9];
	_ =	sdelay $0x3  }
0x36: {  	p1 =	seq.s32 s10, $0x1;
	s10 =	sld [smem:$0x3FBA];
	_ =	sdelay $0x3  }
0x37: {  	[smem:$0x3FBA] =	sst s10  }
0x38: {  	s10 =	sld [smem:$0x3FBB]  }
0x39: {  	_ = 	snop;
	(pc) =	sbr.ind lr, $3  }
0x3a: {  	_ = 	snop  }
0x3b: {  	_ = 	snop  }
0x3c: {  	p2 =	seq.s32 s10, $0x1;
	s10 =	sld [smem:$0x3FBA]  }
0x3d: {  	_ =	shalt  }
0x3e: {  	_ =	shalt  }
0x3f: {  	_ =	shalt  }
0x40: {  	_ =	shalt  }
0x41: {  	_ =	shalt  }
0x42: {  	_ =	shalt  }
0x43: {  	_ =	shalt  }
0x44: {  	_ =	shalt  }
0x45: {  	_ =	shalt  }
0x46: {  	_ =	shalt  }
0x47: {  	_ =	shalt  }
0x48: {  	_ =	shalt  }
0x49: {  	_ =	shalt  }
0x4a: {  	_ =	shalt  }
0x4b: {  	_ =	shalt  }
0x4c: {  	_ =	shalt  }
0x4d: {  	_ =	shalt  }
0x4e: {  	_ =	shalt  }
0x4f: {  	_ =	shalt  }
0x50: {  	_ =	shalt  }
0x51: {  	_ =	shalt  }
0x52: {  	_ =	shalt  }
0x53: {  	_ =	shalt  }
0x54: {  	_ =	shalt  }
0x55: {  	_ =	shalt  }
0x56: {  	_ =	shalt  }
0x57: {  	_ =	shalt  }
0x58: {  	_ =	shalt  }
0x59: {  	_ =	shalt  }
0x5a: {  	_ =	shalt  }
0x5b: {  	_ =	shalt  }
0x5c: {  	_ =	shalt  }
0x5d: {  	_ =	shalt  }
0x5e: {  	_ =	shalt  }
0x5f: {  	_ =	shalt  }
0x60: {  	_ =	shalt  }
0x61: {  	_ =	shalt  }
0x62: {  	_ =	shalt  }
0x63: {  	_ =	shalt  }
0x64: {  	_ =	shalt  }
0x65: {  	_ =	shalt  }
0x66: {  	_ =	shalt  }
0x67: {  	_ =	shalt  }
0x68: {  	_ =	shalt  }
0x69: {  	_ =	shalt  }
0x6a: {  	_ =	shalt  }
0x6b: {  	_ =	shalt  }
0x6c: {  	_ =	shalt  }
0x6d: {  	_ =	shalt  }
0x6e: {  	_ =	shalt  }
0x6f: {  	_ =	shalt  }
0x70: {  	_ =	shalt  }
0x71: {  	_ =	shalt  }
0x72: {  	_ =	shalt  }
0x73: {  	_ =	shalt  }
0x74: {  	_ =	shalt  }
0x75: {  	_ =	shalt  }
0x76: {  	_ =	shalt  }
0x77: {  	_ =	shalt  }
0x78: {  	_ =	shalt  }
0x79: {  	_ =	shalt  }
0x7a: {  	_ =	shalt  }
0x7b: {  	_ =	shalt  }
0x7c: {  	_ =	shalt  }
0x7d: {  	_ =	shalt  }
0x7e: {  	_ =	shalt  }
0x7f: {  	_ =	shalt  }
0x80: {  	_ =	shalt  }
0x81: {  	_ =	shalt  }
0x82: {  	_ =	shalt  }
0x83: {  	_ =	shalt  }
0x84: {  	_ =	shalt  }
0x85: {  	_ =	shalt  }
0x86: {  	_ =	shalt  }
0x87: {  	_ =	shalt  }
.Lfunc_end0:
.L_simem_size_0:
called_computation_lowered:
.L_overlay_start_0:
0x88: {  	s2 =	sld [smem:$0x3FD9]  }
0x89: {  	s3 =	sld [smem:$0x3FFE];
	_ =	sdelay $0x1  }
0x8a: {  	s1 =	srdreg.scid  }
0x8b: {  	s0 =	sand.u32 $0x1, s1  }
0x8c: {  	s17 =	sshll.u32 s0, $0xA;
	s2 =	sadd.s32 s3, s2  }
0x8d: {  	s2 =	sadd.s32 s2, s17  }
0x8e: {  	[smem:$0x3FC6] =	sst s2  }
0x8f: {  	_ = 	snop  }
0x90: {  	s2 =	sld [smem:$0x3FC9]  }
0x91: {  	s18 =	sld [smem:$0x3FC8];
	(tm) =	ssettm $0x1  }
0x92: {  	s4 =	sld [smem:$0x3FFB];
	_ =	sdelay $0x3  }
0x93: {  	_ =	strace s4  }
0x94: {  	s4 =	sld [smem:$0x3FFC];
	_ =	sdelay $0x3  }
0x95: {  	_ =	strace s4  }
0x96: {  	s4 =	sld [smem:$0x3FFD];
	_ =	sdelay $0x3  }
0x97: {  	_ =	strace s4  }
0x98: {  	_ =	strace $0x8FFFFFFF  }
0x99: {  	s19 =	sld [smem:$0x3FDB];
	_ =	sdelay $0x1  }
0x9a: {  	s5 =	simm.s32 $_scs_section_size  }
0x9b: {  	s6 =	simm.s32 $_size__tile_overlayer_lowered;
	s7 =	simm.s32 $_tile_overlayer_lowered  }
0x9c: {  	s22 =	simm.s32 $0x1BFF;
	s21 =	sshll.u32 s7, $0x1;
	s4 =	sadd.s32 s5, s19  }
0x9d: {  	s8 =	simm.s32 $0x0;
	s20 =	sshll.u32 s6, $0x1;
	s6 =	sadd.s32 s21, s4  }
0x9e: {  	[timem:s8], [sflag:s22] =	dma.local [hbm:s6], s20  }
0x9f: {  	_ =	swait.ge [sflag:s22], s20  }
0xa0: {  	s5 =	ssub.s32 $0x0, s20;
	[sflag:s22] =	ssyncset.done $0x0  }
0xa1: {  	[sflag:s22] =	ssyncadd.s32 s5;
	_ =	sdelay $0x1  }
0xa2: {  	s23 =	simm.s32 $0x1B8B  }
0xa3: {  	_ =	swait.ge [sflag:s23], $0x1  }
0xa4: {  	[sflag:s23] =	ssyncset.done $0x0  }
0xa5: {  	s25 =	simm.s32 $0x1B8E;
	s24 =	sld [smem:$0x3FFE];
	[sflag:s23] =	ssyncadd.s32 $0xFFFFFFFF  }
0xa6: {  	s26 =	simm.s32 $execute0_lowered;
	[smem:$0x3FD2] =	sst s25  }
0xa7: {  	s6 =	sshll.u32 s26, $0x1;
	_ =	strace $0x80000046;
	[dreg:$0x1] =	wrdreg $0xFFFFFFFF  }
0xa8: {  	s28 =	simm.s32 $_size_execute0_lowered;
	s4 =	sadd.s32 s4, s6;
	[dreg:$0x0] =	wrdreg $0x0  }
0xa9: {  	s6 =	sshll.u32 s28, $0x1;
	[dreg:$0x2] =	wrdreg s4  }
0xaa: {  	[dreg:$0x3] =	wrdreg s6  }
0xab: {  	[dreg:$0x4] =	wrdreg $0xC0  }
0xac: {  	_ =	task [dreg:s8], $0x5FFFF  }
0xad: {  	[dreg:$0x1] =	wrdreg $0xFFFFFFFF  }
0xae: {  	[dreg:$0x0] =	wrdreg $0x60  }
0xaf: {  	[dreg:$0x2] =	wrdreg s2  }
0xb0: {  	[dreg:$0x3] =	wrdreg s18  }
0xb1: {  	[dreg:$0x4] =	wrdreg s24  }
0xb2: {  	[dreg:$0x5] =	wrdreg $0x9  }
0xb3: {  	_ =	task.clear_ibuf [dreg:s8], $0x6FFFF;
	_ =	strace $0x90000046  }
0xb4: {  	s29 =	simm.s32 $0x9;
	_ =	strace $0x80000048  }
0xb5: {  	_ =	swait.ge [sflag:s29], $0x1  }
0xb6: {  	[sflag:s29] =	ssyncadd.s32 $0xFFFFFFFF  }
0xb7: {  	_ =	strace $0x90000048  }
0xb8: {  	_ =	sfence  }
0xb9: {  	s30 =	sld [smem:$0x0];
	_ =	sdelay $0x2  }
0xba: {  	s31 =	sshll.u32 s1, $0xD;
	s1 =	sshrl.u32 s1, $0x2  }
0xbb: {  	s3 =	sand.u32 $0x4000, s31;
	s1 =	sadd.s32 s1, s30  }
0xbc: {  	s0 =	sor.u32 s3, s0;
	s1 =	sshll.u32 s1, $0x11  }
0xbd: {  	s0 =	sor.u32 s1, s0  }
0xbe: {  	s0 =	sadd.s32 $0x8F2B, s0  }
0xbf: {  	[sflag:s0] =	ssyncadd.remote.s32 $0x1  }
0xc0: {  	_ =	sfence.sel $0xFFFF  }
0xc1: {  	[dreg:$0x0] =	wrdreg $0xFFFFFFFF;
	(pc) =	sbr.abs _section_cstart, $3  }
0xc2: {  	[dreg:$0x1] =	wrdreg $0xFFFFFFFF  }
0xc3: {  	_ =	task.clear_ibuf [dreg:s8], $0x2FFFF;
	_ =	strace $0x9FFFFFFF  }
0xc4: {  	(tm) =	ssettm $0x7FFFFFFF  }
0xc5: {  	_ =	shalt  }
tec
execute0_lowered:
.L_overlay_start_1:
0x0: {  	(tag) =	ssettag $0x1  }
0x1: {  	s0 =	rddreg [dreg:$0x0]  }
0x2: {  	s11 =	rddreg [dreg:$0x1]  }
0x3: {  	s3 =	rddreg [dreg:$0x2];
	s4 =	srdreg.scid  }
0x4: {  	s1 =	stileid.u32;
	s2 =	simm.s32 $0x0;
	s15 =	simm.s32 $0x400  }
0x5: {  	s16 =	simm.s32 $0x20000;
	s17 =	simm.s32 $0x4000;
	s18 =	simm.s32 $0x8000  }
0x6: {  	s19 =	simm.s32 $0xC000;
	s20 =	simm.s32 $0x10000;
	s21 =	simm.s32 $0x14000  }
0x7: {  	s22 =	simm.s32 $0x18000;
	s23 =	simm.s32 $0x1C000;
	s24 =	simm.s32 $0x1F400  }
0x8: {  	s25 =	simm.s32 $0x2;
	s26 =	simm.s32 $0x1;
	s28 =	simm.s32 $0x1F480  }
0x9: {  	s29 =	simm.s32 $0x1F880;
	s4 =	sand.u32 $0x1, s4;
	s5 =	sshll.u32 s1, $0x1  }
0xa: {  	s30 =	simm.s32 $0x0;
	[smem:$0x7FF] =	sst s2;
	s9 =	sor.u32 s4, s5  }
0xb: {  	_ =	strace $0x80000047;
	s4 =	ssub.s32 $0x2, s4;
	s5 =	sshll.u32 s9, $0x7  }
0xc: {  	s6 =	sshll.u32 s9, $0x5;
	s7 =	sshrl.u32 s4, $0x1;
	s31 =	sshll.u32 s9, $0x4  }
0xd: {  	s12 =	sadd.s32 s5, s3;
	s13 =	sadd.s32 s6, s3;
	s3 =	sadd.s32 s0, s5  }
0xe: {  	v0 =	vlaneseq.u32;
	s14 =	ssub.s32 s4, s7;
	s11 =	sadd.s32 s11, s31;
	s4 =	sadd.s32 $0x40000, s3  }
0xf: {  	v1 =	vor.u32 $0x10, v0;
	s5 =	sadd.s32 $0x80000, s3;
	s6 =	sadd.s32 $0xC0000, s3;
	s7 =	sadd.s32 $0x100000, s3  }
0x10: {  	v2 =	vor.u32 $0x20, v0;
	v3 =	vor.u32 $0x30, v0;
	v4 =	vor.u32 $0x40, v0;
	s8 =	sadd.s32 $0x140000, s3;
	s9 =	sadd.s32 $0x180000, s3;
	s10 =	sadd.s32 $0x1C0000, s3  }
0x11: {  	v5 =	vor.u32 $0x50, v0;
	v6 =	vor.u32 $0x60, v0;
	v7 =	vor.u32 $0x70, v0;
	s12 =	sadd.s32 $0xE00, s12;
	s13 =	sadd.s32 $0x1E00, s13;
	s14 =	smax.u32 s14, $0x1  }
.LBB2_1:
0x12: {  	[tilespmem:s2], [sflag:$0x1] =	stream.strided.gather [hbm4b:s3+s15], $0x4000, s16, s15, $0x38;
	[tilespmem:$0x1F980] =	vst v63  }
0x13: {  	_ = 	snop  }
0x14: {  	[tilespmem:s17], [sflag:$0x1] =	stream.strided.gather [hbm4b:s4+s15], $0x4000, s16, s15, $0x38;
	[tilespmem:$0x1F980] =	vst v63  }
0x15: {  	_ = 	snop  }
0x16: {  	[tilespmem:s18], [sflag:$0x1] =	stream.strided.gather [hbm4b:s5+s15], $0x4000, s16, s15, $0x38;
	[tilespmem:$0x1F980] =	vst v63  }
0x17: {  	_ = 	snop  }
0x18: {  	[tilespmem:s19], [sflag:$0x1] =	stream.strided.gather [hbm4b:s6+s15], $0x4000, s16, s15, $0x38;
	[tilespmem:$0x1F980] =	vst v63  }
0x19: {  	_ = 	snop  }
0x1a: {  	[tilespmem:s20], [sflag:$0x1] =	stream.strided.gather [hbm4b:s7+s15], $0x4000, s16, s15, $0x38;
	[tilespmem:$0x1F980] =	vst v63  }
0x1b: {  	_ = 	snop  }
0x1c: {  	[tilespmem:s21], [sflag:$0x1] =	stream.strided.gather [hbm4b:s8+s15], $0x4000, s16, s15, $0x38;
	[tilespmem:$0x1F980] =	vst v63  }
0x1d: {  	_ = 	snop  }
0x1e: {  	[tilespmem:s22], [sflag:$0x1] =	stream.strided.gather [hbm4b:s9+s15], $0x4000, s16, s15, $0x38;
	[tilespmem:$0x1F980] =	vst v63  }
0x1f: {  	_ = 	snop  }
0x20: {  	[tilespmem:s23], [sflag:$0x1] =	stream.strided.gather [hbm4b:s10+s15], $0x3400, s16, s15, $0x38;
	[tilespmem:$0x1F980] =	vst v63  }
0x21: {  	_ = 	snop  }
0x22: {  	[tilespmem:s24], [sflag:$0x2] =	stream.linear.gather [hbm4b:s11+s2], $0x80, $0x38;
	[tilespmem:$0x1F980] =	vst v63  }
0x23: {  	_ =	swait.ge [sflag:s25], $0x80  }
0x24: {  	[sflag:s25] =	ssyncset.done $0x0  }
0x25: {  	[sflag:s25] =	ssyncadd.s32 $0xFFFFFF80  }
0x26: {  	_ =	swait.ge [sflag:s26], $0x4000  }
0x27: {  	[sflag:s26] =	ssyncset.done $0x0  }
0x28: {  	[sflag:s26] =	ssyncadd.s32 $0xFFFFC000  }
0x29: {  	_ =	swait.ge [sflag:s26], $0x4000  }
0x2a: {  	[sflag:s26] =	ssyncset.done $0x0  }
0x2b: {  	[sflag:s26] =	ssyncadd.s32 $0xFFFFC000  }
0x2c: {  	_ =	swait.ge [sflag:s26], $0x4000  }
0x2d: {  	[sflag:s26] =	ssyncset.done $0x0  }
0x2e: {  	[sflag:s26] =	ssyncadd.s32 $0xFFFFC000  }
0x2f: {  	_ =	swait.ge [sflag:s26], $0x4000  }
0x30: {  	[sflag:s26] =	ssyncset.done $0x0  }
0x31: {  	[sflag:s26] =	ssyncadd.s32 $0xFFFFC000  }
0x32: {  	_ =	swait.ge [sflag:s26], $0x4000  }
0x33: {  	[sflag:s26] =	ssyncset.done $0x0  }
0x34: {  	[sflag:s26] =	ssyncadd.s32 $0xFFFFC000  }
0x35: {  	_ =	swait.ge [sflag:s26], $0x4000  }
0x36: {  	[sflag:s26] =	ssyncset.done $0x0  }
0x37: {  	[sflag:s26] =	ssyncadd.s32 $0xFFFFC000  }
0x38: {  	_ =	swait.ge [sflag:s26], $0x4000  }
0x39: {  	[sflag:s26] =	ssyncset.done $0x0  }
0x3a: {  	[sflag:s26] =	ssyncadd.s32 $0xFFFFC000  }
0x3b: {  	_ =	swait.ge [sflag:s26], $0x3400  }
0x3c: {  	[sflag:s26] =	ssyncset.done $0x0  }
0x3d: {  	s31 =	simm.s32 $0x0;
	[sflag:s26] =	ssyncadd.s32 $0xFFFFCC00  }
0x3e: {  	v8 =	vld [tilespmem:s31+$0x80]  }
0x3f: {  	v9 =	vld [tilespmem:s31+$0x90]  }
0x40: {  	v13 =	vld [tilespmem:s31+$0xA0]  }
0x41: {  	v19 =	vld [tilespmem:s31+$0xB0]  }
0x42: {  	v20 =	vld [tilespmem:s31+$0x10]  }
0x43: {  	v18 =	vld [tilespmem:s31+$0x20]  }
0x44: {  	v16 =	vld [tilespmem:s31+$0xC0]  }
0x45: {  	v23 =	vimm.f32 $0.0e+00;
	v15 =	vld [tilespmem:s31+$0x0];
	v10 =	vmul.f32 $1.442695020e+00, v8;
	v11 =	vmul.f32 $1.442695020e+00, v9  }
0x46: {  	v25 =	vimm.f32 $0.0e+00;
	v26 =	vld [tilespmem:s31+$0xD0];
	v12 =	vmul.f32 $1.442695020e+00, v13;
	v17 =	vmul.f32 $1.442695020e+00, v19  }
0x47: {  	v21 =	vimm.f32 $0.0e+00;
	v14 =	vld [tilespmem:s31+$0xE0];
	v31 =	vmul.f32 $1.442695020e+00, v20;
	(erf) = vpow2.f32 v10  }
0x48: {  	v27 =	vld [tilespmem:s31+$0x30];
	v32 =	vmul.f32 $1.442695020e+00, v18;
	v22 =	vadd.f32 v9, v8;
	(erf) = vpow2.f32 v11  }
0x49: {  	v24 =	vld [tilespmem:s31+$0x40];
	v9 =	vimm.f32 $0.0e+00;
	v10 =	vmul.f32 $1.442695020e+00, v16;
	(erf) = vpow2.f32 v12  }
0x4a: {  	v30 =	vld [tilespmem:s31+$0xF0];
	v8 =	vimm.f32 $0.0e+00;
	v11 =	vmul.f32 $1.442695020e+00, v15;
	(erf) = vpow2.f32 v17  }
0x4b: {  	v28 =	vld [tilespmem:s31+$0x50];
	v12 =	vimm.f32 $0.0e+00;
	v17 =	vimm.f32 $0.0e+00;
	(erf) = vpow2.f32 v10  }
0x4c: {  	s0 =	simm.s32 $0x400;
	v29 =	vld [tilespmem:s31+$0x60];
	v10 =	vimm.f32 $0.0e+00;
	(erf) = vpow2.f32 v11;
	v11 =	vimm.f32 $0.0e+00  }
.LBB2_2:
0x4d: {  	p0 =	sne.s32 s0, $0x7CC00;
	v33 =	vld [tilespmem:s31+$0x70];
	v34 =	vmul.f32 $1.442695020e+00, v27;
	v13 =	vadd.f32 v19, v13;
	(erf) = vpow2.f32 v31  }
0x4e: {  	v16 =	vadd.f32 v26, v16;
	v19 =	vmul.f32 $1.442695020e+00, v24;
	(erf) = vpow2.f32 v32  }
0x4f: {  	v26 =	vmul.f32 $1.442695020e+00, v26;
	v31 =	vadd.f32 v30, v14;
	(erf) = vpow2.f32 v34  }
0x50: {  	v15 =	vadd.f32 v20, v15;
	v34 =	vmul.f32 $1.442695020e+00, v28;
	(erf) = vpow2.f32 v19;
	v20 =	vpop (erf)  }
0x51: {  	v18 =	vadd.f32 v27, v18;
	v19 =	vmul.f32 $1.442695020e+00, v29;
	v27 =	vpop (erf);
	(erf) = vpow2.f32 v26  }
0x52: {  	v24 =	vadd.f32 v28, v24;
	v26 =	vmul.f32 $1.442695020e+00, v33;
	(erf) = vpow2.f32 v34;
	v28 =	vpop (erf)  }
0x53: {  	s31 =	sshra.s32 s0, $0x2;
	v14 =	vmul.f32 $1.442695020e+00, v14;
	v29 =	vadd.f32 v33, v29;
	(erf) = vpow2.f32 v19;
	v32 =	vpop (erf)  }
0x54: {  	v22 =	vadd.f32 v13, v22;
	v19 =	vmul.f32 $1.442695020e+00, v30;
	v33 =	vld [tilespmem:s31+$0x80];
	(erf) = vpow2.f32 v26;
	v30 =	vpop (erf)  }
0x55: {  	v15 =	vadd.f32 v18, v15;
	v16 =	vadd.f32 v31, v16;
	v34 =	vld [tilespmem:s31+$0x90];
	v18 =	vpop (erf);
	(erf) = vpow2.f32 v14  }
0x56: {  	v13 =	vld [tilespmem:s31+$0xA0];
	v31 =	vadd.f32 v18, v23;
	v18 =	vadd.f32 v29, v24;
	v24 =	vpop (erf);
	(erf) = vpow2.f32 v19  }
0x57: {  	v22 =	vadd.f32 v16, v22;
	v19 =	vld [tilespmem:s31+$0xB0];
	v26 =	vpop (erf)  }
0x58: {  	v16 =	vld [tilespmem:s31+$0xC0];
	v29 =	vadd.f32 v18, v15;
	v23 =	vadd.f32 v20, v31;
	v14 =	vpop (erf)  }
0x59: {  	v15 =	vadd.f32 v24, v25;
	v37 =	vadd.f32 v26, v21;
	v31 =	vmul.f32 $1.442695020e+00, v33;
	v20 =	vpop (erf)  }
0x5a: {  	v17 =	vadd.f32 v14, v17;
	v26 =	vld [tilespmem:s31+$0xD0];
	v24 =	vmul.f32 $1.442695020e+00, v34;
	v12 =	vadd.f32 v20, v12;
	v35 =	vpop (erf)  }
0x5b: {  	v25 =	vadd.f32 v27, v15;
	v21 =	vadd.f32 v28, v37;
	v14 =	vld [tilespmem:s31+$0xE0];
	v36 =	vmul.f32 $1.442695020e+00, v13;
	v18 =	vpop (erf)  }
0x5c: {  	v17 =	vadd.f32 v32, v17;
	v15 =	vld [tilespmem:s31+$0x0];
	v28 =	vmul.f32 $1.442695020e+00, v19;
	v12 =	vadd.f32 v30, v12;
	v27 =	vpop (erf)  }
0x5d: {  	v11 =	vadd.f32 v18, v11;
	v20 =	vld [tilespmem:s31+$0x10];
	v32 =	vmul.f32 $1.442695020e+00, v16;
	v10 =	vadd.f32 v27, v10;
	v27 =	vpop (erf)  }
0x5e: {  	v8 =	vadd.f32 v29, v8;
	v18 =	vld [tilespmem:s31+$0x20];
	(erf) = vpow2.f32 v31;
	v9 =	vadd.f32 v27, v9;
	v29 =	vpop (erf)  }
.Ltmp0:
0x5f: {  	v11 =	vadd.f32 v35, v11;
	v27 =	vld [tilespmem:s31+$0x30];
	(erf) = vpow2.f32 v24;
	v10 =	vadd.f32 v29, v10;
	v29 =	vpop (erf);
	(pc) =	sbr.rel @p0 .LBB2_2-.Ltmp0, $4  }
0x60: {  	v8 =	vadd.f32 v22, v8;
	v24 =	vld [tilespmem:s31+$0x40];
	(erf) = vpow2.f32 v36;
	v9 =	vadd.f32 v29, v9  }
0x61: {  	v35 =	vmul.f32 $1.442695020e+00, v15;
	v30 =	vld [tilespmem:s31+$0xF0];
	(erf) = vpow2.f32 v28  }
0x62: {  	v28 =	vld [tilespmem:s31+$0x50];
	v31 =	vmul.f32 $1.442695020e+00, v20;
	(erf) = vpow2.f32 v32  }
0x63: {  	s0 =	sadd.s32 $0x400, s0;
	v22 =	vadd.f32 v34, v33;
	v29 =	vld [tilespmem:s31+$0x60];
	v32 =	vmul.f32 $1.442695020e+00, v18;
	(erf) = vpow2.f32 v35  }
0x64: {  	_ = 	snop  }
0x65: {  	(erf) = vpow2.f32 v31  }
0x66: {  	v31 =	vld [tilespmem:s31+$0x70]  }
0x67: {  	v33 =	vmul.f32 $1.442695020e+00, v27;
	v34 =	vld [tilespmem:$0x1F400];
	(erf) = vpow2.f32 v32;
	v63 =	vpop (erf)  }
0x68: {  	v37 =	vmul.f32 $1.442695020e+00, v26;
	v38 =	vld [tilespmem:$0x1F410];
	v35 =	vmul.f32 $1.442695020e+00, v24;
	v36 =	vpop (erf)  }
0x69: {  	v41 =	vld [tilespmem:$0x1F420];
	v50 =	vmul.f32 $1.442695020e+00, v14;
	(erf) = vpow2.f32 v33;
	v45 =	vpop (erf)  }
0x6a: {  	v54 =	vmul.f32 $1.442695020e+00, v30;
	(erf) = vpow2.f32 v35;
	v46 =	vpop (erf)  }
0x6b: {  	v49 =	vld [tilespmem:$0x1F430];
	v39 =	vmul.f32 $1.442695020e+00, v28;
	v40 =	vmul.f32 $1.442695020e+00, v29;
	v47 =	vpop (erf)  }
0x6c: {  	v42 =	vmul.f32 $1.442695020e+00, v31;
	v34 =	vshll.u32 v34, $0x7;
	(erf) = vpow2.f32 v37;
	v48 =	vpop (erf)  }
0x6d: {  	v34 =	vor.u32 v0, v34;
	(erf) = vpow2.f32 v39;
	v23 =	vadd.f32 v48, v23  }
0x6e: {  	v38 =	vshll.u32 v38, $0x7;
	v41 =	vshll.u32 v41, $0x7;
	(erf) = vpow2.f32 v40;
	v51 =	vpop (erf)  }
0x6f: {  	v53 =	vld [tilespmem:$0x1F440];
	v52 =	vor.u32 v1, v38;
	v25 =	vadd.f32 v51, v25;
	v23 =	vadd.f32 v63, v23  }
0x70: {  	v56 =	vor.u32 v2, v41;
	v39 =	vshll.u32 v49, $0x7;
	(erf) = vpow2.f32 v42;
	v55 =	vpop (erf)  }
0x71: {  	v57 =	vld [tilespmem:$0x1F450];
	(erf) = vpow2.f32 v50;
	v21 =	vadd.f32 v55, v21;
	v25 =	vadd.f32 v36, v25;
	[tilespmem:$0x1F480] =	vst v23  }
0x72: {  	v60 =	vor.u32 v3, v39;
	v58 =	vpop (erf);
	v34 =	vld.idx.msk [tilespmem:v34+s2+$0x0], $0xffff  }
0x73: {  	v61 =	vld [tilespmem:$0x1F460];
	(erf) = vpow2.f32 v54;
	v17 =	vadd.f32 v58, v17;
	v21 =	vadd.f32 v45, v21;
	v59 =	vpop (erf);
	[tilespmem:$0x1F500] =	vst v25  }
0x74: {  	v13 =	vadd.f32 v19, v13;
	v63 =	vshll.u32 v53, $0x7;
	v12 =	vadd.f32 v59, v12;
	v62 =	vld.idx.msk [tilespmem:v52+s2+$0x0], $0xffff  }
0x75: {  	v16 =	vadd.f32 v26, v16;
	v41 =	vld [tilespmem:$0x1F470];
	v40 =	vor.u32 v4, v63;
	v17 =	vadd.f32 v46, v17;
	v38 =	vpop (erf);
	[tilespmem:$0x1F580] =	vst v21  }
0x76: {  	v15 =	vadd.f32 v20, v15;
	v44 =	vshll.u32 v57, $0x7;
	v43 =	vpop (erf);
	v23 =	vld.idx.msk [tilespmem:v56+s2+$0x0], $0xffff;
	v12 =	vadd.f32 v47, v12  }
0x77: {  	v46 =	vor.u32 v5, v44;
	v11 =	vadd.f32 v43, v11;
	[tilespmem:$0x1F600] =	vst v17;
	v45 =	vpop (erf);
	v47 =	vadd.f32 $0.0e+00, v34  }
0x78: {  	v18 =	vadd.f32 v27, v18;
	v49 =	vshll.u32 v61, $0x7;
	v10 =	vadd.f32 v45, v10;
	v48 =	vld.idx.msk [tilespmem:v60+s2+$0x0], $0xffff  }
0x79: {  	v51 =	vor.u32 v6, v49;
	v50 =	vpop (erf);
	v11 =	vadd.f32 v38, v11;
	[tilespmem:$0x1F680] =	vst v12;
	v19 =	vadd.f32 v62, v47  }
0x7a: {  	v15 =	vadd.f32 v18, v15;
	v53 =	vshll.u32 v41, $0x7;
	v9 =	vadd.f32 v50, v9;
	v52 =	vpop (erf);
	v21 =	vld.idx.msk [tilespmem:v40+s2+$0x0], $0xffff  }
0x7b: {  	v54 =	vor.u32 v7, v53;
	v10 =	vadd.f32 v52, v10;
	[tilespmem:$0x1F700] =	vst v11;
	v19 =	vadd.f32 v23, v19  }
0x7c: {  	v55 =	vadd.f32 v28, v24;
	v56 =	vadd.f32 v31, v29;
	v57 =	vpop (erf);
	v58 =	vld.idx.msk [tilespmem:v46+s2+$0x0], $0xffff  }
0x7d: {  	v9 =	vadd.f32 v57, v9;
	[tilespmem:$0x1F780] =	vst v10;
	v59 =	vadd.f32 v48, v19  }
0x7e: {  	v42 =	vadd.f32 v30, v14;
	v60 =	vadd.f32 v56, v55;
	v12 =	vld.idx.msk [tilespmem:v51+s2+$0x0], $0xffff  }
0x7f: {  	v13 =	vadd.f32 v13, v22;
	[tilespmem:$0x1F800] =	vst v9;
	v61 =	vadd.f32 v21, v59  }
0x80: {  	v63 =	vadd.f32 v60, v15;
	v62 =	vadd.f32 v42, v16;
	v11 =	vld.idx.msk [tilespmem:v54+s2+$0x0], $0xffff  }
0x81: {  	v9 =	vadd.f32 v58, v61  }
0x82: {  	v8 =	vadd.f32 v63, v8;
	v10 =	vadd.f32 v62, v13;
	[hbm4b:s12+s2] =	stream.linear.scatter [tilespmem:s28], [sflag:$0x2], $0x400, $0x38;
	[tilespmem:$0x1F980] =	vst v63  }
0x83: {  	_ =	swait.ge [sflag:s25], $0x400;
	v9 =	vadd.f32 v12, v9  }
0x84: {  	v8 =	vadd.f32 v10, v8;
	[sflag:s25] =	ssyncset.done $0x0  }
0x85: {  	s30 =	sadd.s32 $0x1, s30;
	[sflag:s25] =	ssyncadd.s32 $0xFFFFFC00;
	v9 =	vadd.f32 v11, v9  }
0x86: {  	p0 =	sne.s32 s30, s14;
	[tilespmem:$0x1F880] =	vst v8  }
.Ltmp1:
0x87: {  	[tilespmem:$0x1F900] =	vst v9;
	(pc) =	sbr.rel @p0 .LBB2_1-.Ltmp1, $4  }
0x88: {  	[hbm4b:s13+s2] =	stream.linear.scatter [tilespmem:s29], [sflag:$0x2], $0x100, $0x38;
	[tilespmem:$0x1F980] =	vst v63  }
0x89: {  	_ =	swait.ge [sflag:s25], $0x100  }
0x8a: {  	[sflag:s25] =	ssyncset.done $0x0  }
0x8b: {  	[sflag:s25] =	ssyncadd.s32 $0xFFFFFF00  }
0x8c: {  	_ =	sfence.sel $0x180000  }
0x8d: {  	[bflag:$0x0] =	sbarrier.arrive $0xFFFF  }
0x8e: {  	_ =	strace $0x90000047  }
0x8f: {  	[bflag:$0x2] =	sbarrier.arrive $0xFFFF  }
0x90: {  	p0 =	sne.s32 s1, $0x0;
	s0 =	rddreg [dreg:$0x3]  }
0x91: {  	s0 =	sadd.s32 @!p0 $0x100000, s0  }
0x92: {  	[sflag:s0] =	ssyncadd.tile.s32 @!p0 $0x1;
	_ =	shalt  }
.Lfunc_end2:
_tile_overlayer_lowered:
.L_overlay_start_2:
0x93: {  	(tag) =	ssettag $0x2  }
0x94: {  	s0 =	rddreg [dreg:$0x0];
	s2 =	stileid.u32  }
0x95: {  	s1 =	rddreg [dreg:$0x1];
	p0 =	sne.s32 s2, $0x0  }
0x96: {  	s3 =	rddreg [dreg:$0x2];
	[bflag:$0x3] =	sbarrier.arrive $0xFFFF;
	s2 =	simm.s32 @!p0 $0x1C02  }
0x97: {  	[timem:s3], [sflag:s2] =	dma.local @!p0 [hbm:s0], s1  }
0x98: {  	s0 =	simm.s32 @!p0 $0x2  }
0x99: {  	_ =	swait.ge @!p0 [sflag:s0], s1  }
0x9a: {  	s1 =	ssub.s32 @!p0 $0x0, s1;
	[sflag:s0] =	ssyncset.done @!p0 $0x0  }
0x9b: {  	[sflag:s0] =	ssyncadd.s32 @!p0 s1  }
0x9c: {  	[bflag:$0x3] =	sbarrier.arrive $0xFFFF  }
0x9d: {  	_ =	shalt  }

</sc_bundles>
